<compile_context>
chip_gen: v7x
topology: tpu7x:2x2x1
jax: 0.10.2.dev20260603
libtpu: 0.0.44.dev20260713+nightly
codegen_flags: <defaults>
</compile_context>

<pallas_src>
import functools

import jax
import jax.numpy as jnp
from jax import lax
from jax.experimental import pallas as pl
from jax.experimental.pallas import tpu as pltpu
from jax.experimental.pallas import tpu_sc as plsc

N = 10000
M = 320000
D = 128

NC = 2
NS = 16
NW = NC * NS
BB = 128
KB = 80
MP = NW * KB * BB
KS = KB * NC
NP = N + 8

BE = 512
BN = 400


def _gather_call(self3, nbr3, tab_s, tab_n):
    mesh = plsc.VectorSubcoreMesh(core_axis_name="c", subcore_axis_name="s")

    @functools.partial(
        pl.kernel,
        mesh=mesh,
        out_type=(
            jax.ShapeDtypeStruct((MP, D), jnp.float32),
            jax.ShapeDtypeStruct((MP, 2 * D), jnp.float32),
        ),
        scratch_types=[
            pltpu.VMEM((KB, BB), jnp.int32),
            pltpu.VMEM((KB, BB), jnp.int32),
            pltpu.VMEM((BB, D), jnp.float32),
            pltpu.VMEM((BB, 2 * D), jnp.float32),
            pltpu.VMEM((BB, D), jnp.float32),
            pltpu.VMEM((BB, 2 * D), jnp.float32),
            pltpu.SemaphoreType.DMA,
            pltpu.SemaphoreType.DMA,
        ],
    )
    def k(self3_h, nbr3_h, tabs_h, tabn_h, oself, onbr,
          idxs_v, idxn_v, rows_a, rown_a, rows_b, rown_b, sem_a, sem_b):
        wid = lax.axis_index("s") * NC + lax.axis_index("c")
        pltpu.sync_copy(self3_h.at[wid], idxs_v)
        pltpu.sync_copy(nbr3_h.at[wid], idxn_v)

        def body(p, carry):
            g0 = 2 * p
            g1 = g0 + 1
            b0 = wid * (KB * BB) + g0 * BB
            b1 = b0 + BB
            cs0 = pltpu.async_copy(tabs_h.at[idxs_v.at[g0]], rows_a, sem_a)
            cn0 = pltpu.async_copy(tabn_h.at[idxn_v.at[g0]], rown_a, sem_a)
            cs1 = pltpu.async_copy(tabs_h.at[idxs_v.at[g1]], rows_b, sem_b)
            cn1 = pltpu.async_copy(tabn_h.at[idxn_v.at[g1]], rown_b, sem_b)
            cs0.wait()
            cn0.wait()
            pltpu.sync_copy(rows_a, oself.at[pl.ds(b0, BB)])
            pltpu.sync_copy(rown_a, onbr.at[pl.ds(b0, BB)])
            cs1.wait()
            cn1.wait()
            pltpu.sync_copy(rows_b, oself.at[pl.ds(b1, BB)])
            pltpu.sync_copy(rown_b, onbr.at[pl.ds(b1, BB)])
            return carry

        lax.fori_loop(0, KB // 2, body, 0)

    return k(self3, nbr3, tab_s, tab_n)


def _scatter_call(selfsc, fsc, wb, zfea):
    mesh = plsc.VectorSubcoreMesh(core_axis_name="c", subcore_axis_name="s")

    @functools.partial(
        pl.kernel,
        mesh=mesh,
        out_type=jax.ShapeDtypeStruct((NC, NP, D), jnp.float32),
        scratch_types=[
            pltpu.VMEM((KS, BB), jnp.int32),
            pltpu.VMEM((BB, D), jnp.float32),
            pltpu.VMEM_SHARED((NP, D), jnp.float32),
        ],
    )
    def k(selfsc_h, fsc_h, wb_h, zfea_h, oacc, idx_v, rows_v, shacc):
        cid = lax.axis_index("c")
        sid = lax.axis_index("s")

        @pl.when(sid == 0)
        def _init():
            pltpu.sync_copy(zfea_h, shacc)

        plsc.subcore_barrier()
        pltpu.sync_copy(selfsc_h.at[sid], idx_v)

        @pl.when(cid == 0)
        def _num():
            def body(g, carry):
                base = sid * (KS * BB) + g * BB
                pltpu.sync_copy(fsc_h.at[pl.ds(base, BB)], rows_v)
                pltpu.sync_copy(rows_v, shacc.at[idx_v.at[g]], add=True)
                return carry
            lax.fori_loop(0, KS, body, 0)

        @pl.when(cid == 1)
        def _den():
            def body(g, carry):
                base = sid * (KS * BB) + g * BB
                pltpu.sync_copy(wb_h.at[pl.ds(base, BB)], rows_v)
                pltpu.sync_copy(rows_v, shacc.at[idx_v.at[g]], add=True)
                return carry
            lax.fori_loop(0, KS, body, 0)

        plsc.subcore_barrier()

        @pl.when(sid == 0)
        def _out():
            pltpu.sync_copy(shacc, oacc.at[cid])

    return k(selfsc, fsc, wb, zfea)


def _dense_body(self_ref, nbre_ref, a1, a2, b1, wo, b2, gw, gb, ofs, ow):
    nbr = nbre_ref[:, :D]
    h = jnp.dot(self_ref[...], a1[...], preferred_element_type=jnp.float32)
    h = h + jnp.dot(nbr, a2[...], preferred_element_type=jnp.float32)
    h = jnp.maximum(h + b1[...], 0.0)
    fea = jnp.dot(h, wo[...], preferred_element_type=jnp.float32) + b2[...]
    gate = jnp.sum(fea * gw[...], axis=1, keepdims=True) + gb[...]
    w = nbre_ref[:, D:D + 1] * jnp.exp(gate)
    ofs[...] = fea * w
    ow[...] = jnp.broadcast_to(w, (BE, D))


def _final_body(atom_ref, nd_ref, out_ref):
    n = nd_ref[0]
    d = nd_ref[1, :, :1]
    out_ref[...] = atom_ref[...] + jnp.maximum(n / (d + 1e-13), 0.0)


def kernel(atom_weights, atom_in_fea, self_fea_idx, nbr_fea_idx,
           W_in, b_in, W_out, b_out, gate_W, gate_b):
    f32 = jnp.float32
    pad_e = MP - M
    self_i = jnp.concatenate(
        [self_fea_idx.astype(jnp.int32), jnp.full((pad_e,), N, jnp.int32)])
    nbr_i = jnp.concatenate(
        [nbr_fea_idx.astype(jnp.int32), jnp.full((pad_e,), N, jnp.int32)])
    self3 = self_i.reshape(NW, KB, BB)
    nbr3 = nbr_i.reshape(NW, KB, BB)
    selfsc = self_i.reshape(NS, KS, BB)

    fea32 = atom_in_fea.astype(f32)
    tab_s = jnp.concatenate([fea32, jnp.zeros((NP - N, D), f32)])
    tab_n = jnp.concatenate([
        jnp.concatenate(
            [fea32, atom_weights.astype(f32), jnp.zeros((N, D - 1), f32)],
            axis=1),
        jnp.zeros((NP - N, 2 * D), f32),
    ])

    self_rows, nbr_ext = _gather_call(self3, nbr3, tab_s, tab_n)

    WinT = W_in.T.astype(f32)
    a1 = WinT[:D]
    a2 = WinT[D:]
    b1 = b_in.astype(f32).reshape(1, 4 * D)
    wo = W_out.T.astype(f32)
    b2 = b_out.astype(f32).reshape(1, D)
    gw = gate_W.astype(f32).reshape(1, D)
    gb = gate_b.astype(f32).reshape(1, 1)

    fsc, wb = pl.pallas_call(
        _dense_body,
        grid=(MP // BE,),
        in_specs=[
            pl.BlockSpec((BE, D), lambda i: (i, 0)),
            pl.BlockSpec((BE, 2 * D), lambda i: (i, 0)),
            pl.BlockSpec((D, 4 * D), lambda i: (0, 0)),
            pl.BlockSpec((D, 4 * D), lambda i: (0, 0)),
            pl.BlockSpec((1, 4 * D), lambda i: (0, 0)),
            pl.BlockSpec((4 * D, D), lambda i: (0, 0)),
            pl.BlockSpec((1, D), lambda i: (0, 0)),
            pl.BlockSpec((1, D), lambda i: (0, 0)),
            pl.BlockSpec((1, 1), lambda i: (0, 0)),
        ],
        out_specs=[
            pl.BlockSpec((BE, D), lambda i: (i, 0)),
            pl.BlockSpec((BE, D), lambda i: (i, 0)),
        ],
        out_shape=[
            jax.ShapeDtypeStruct((MP, D), f32),
            jax.ShapeDtypeStruct((MP, D), f32),
        ],
    )(self_rows, nbr_ext, a1, a2, b1, wo, b2, gw, gb)

    zfea = jnp.zeros((NP, D), f32)
    acc = _scatter_call(selfsc, fsc, wb, zfea)
    acc = acc[:, :N, :]

    out = pl.pallas_call(
        _final_body,
        grid=(N // BN,),
        in_specs=[
            pl.BlockSpec((BN, D), lambda i: (i, 0)),
            pl.BlockSpec((NC, BN, D), lambda i: (0, i, 0)),
        ],
        out_specs=pl.BlockSpec((BN, D), lambda i: (i, 0)),
        out_shape=jax.ShapeDtypeStruct((N, D), f32),
    )(atom_in_fea.astype(f32), acc)

    return out

# --- scband reference (transcript-rebuilt; emitter-appended) ---
"""Pipeline reference for scband-message-layer-4217657885289 (READ-ONLY COPY).

The authoritative reference and input builder live on the scoring server;
editing this copy changes nothing except your own understanding.
"""

import jax, jax.numpy as jnp
import numpy as np

N = 10000   # nodes
M = 320000  # edges
D = 128     # atom_fea_len


def setup_inputs(seed: int = 0) -> dict:
    key = jax.random.key(seed)
    ks = jax.random.split(key, 10)
    atom_weights = jax.random.uniform(ks[0], (N, 1), dtype=jnp.float32)
    atom_in_fea = jax.random.normal(ks[1], (N, D), dtype=jnp.float32)
    self_fea_idx = jnp.sort(jax.random.randint(ks[2], (M,), 0, N, dtype=jnp.int64))
    nbr_fea_idx = jax.random.randint(ks[3], (M,), 0, N, dtype=jnp.int64)
    # linear_in: Linear(2D -> 4D)
    s1 = 1.0 / np.sqrt(2 * D)
    W_in = jax.random.uniform(ks[4], (4 * D, 2 * D), minval=-s1, maxval=s1, dtype=jnp.float32)
    b_in = jax.random.uniform(ks[5], (4 * D,), minval=-s1, maxval=s1, dtype=jnp.float32)
    # linear_out: Linear(4D -> D)
    s2 = 1.0 / np.sqrt(4 * D)
    W_out = jax.random.uniform(ks[6], (D, 4 * D), minval=-s2, maxval=s2, dtype=jnp.float32)
    b_out = jax.random.uniform(ks[7], (D,), minval=-s2, maxval=s2, dtype=jnp.float32)
    # gate_nn: Linear(D -> 1)
    s3 = 1.0 / np.sqrt(D)
    gate_W = jax.random.uniform(ks[8], (1, D), minval=-s3, maxval=s3, dtype=jnp.float32)
    gate_b = jax.random.uniform(ks[9], (1,), minval=-s3, maxval=s3, dtype=jnp.float32)
    return {
        "atom_weights": atom_weights,
        "atom_in_fea": atom_in_fea,
        "self_fea_idx": self_fea_idx,
        "nbr_fea_idx": nbr_fea_idx,
        "W_in": W_in, "b_in": b_in,
        "W_out": W_out, "b_out": b_out,
        "gate_W": gate_W, "gate_b": gate_b,
    }


def reference(atom_weights, atom_in_fea, self_fea_idx, nbr_fea_idx,
              W_in, b_in, W_out, b_out, gate_W, gate_b):
    # gather node features along edges
    atom_nbr_weights = atom_weights[nbr_fea_idx, :]          # (M, 1)
    atom_nbr_fea = atom_in_fea[nbr_fea_idx, :]               # (M, D)
    atom_self_fea = atom_in_fea[self_fea_idx, :]             # (M, D)
    fea = jnp.concatenate([atom_self_fea, atom_nbr_fea], axis=1)  # (M, 2D)
    fea = jax.nn.relu(fea @ W_in.T + b_in)                   # (M, 4D)
    fea = fea @ W_out.T + b_out                              # (M, D)
    # WeightedAttention pooling over self_fea_idx segments
    gate = fea @ gate_W.T + gate_b                           # (M, 1)
    gmax = jax.ops.segment_max(gate, self_fea_idx, num_segments=N)  # (N, 1)
    gate = gate - gmax[self_fea_idx]
    gate = atom_nbr_weights * jnp.exp(gate)
    denom = jax.ops.segment_sum(gate, self_fea_idx, num_segments=N)  # (N, 1)
    gate = gate / (denom[self_fea_idx] + 1e-13)
    pooled = jax.ops.segment_sum(gate * fea, self_fea_idx, num_segments=N)  # (N, D)
    pooled = jax.nn.relu(pooled)
    return atom_in_fea + pooled

if __name__ == "__main__":
    import jax
    _d = setup_inputs()
    print(jax.jit(kernel)(*tuple(_d.values())))

</pallas_src>

<mosaic_0001>
#map = affine_map<(d0, d1) -> (0, 0, 0)>
#map1 = affine_map<(d0, d1) -> (0, 0)>
module attributes {stable_mosaic.version = 14 : i64} {
  func.func @k(%arg0: i32, %arg1: i32, %arg2: memref<32x80x128xi32, #tpu.memory_space<hbm>>, %arg3: memref<32x80x128xi32, #tpu.memory_space<hbm>>, %arg4: memref<10008x128xf32, #tpu.memory_space<hbm>>, %arg5: memref<10008x256xf32, #tpu.memory_space<hbm>>, %arg6: memref<327680x128xf32, #tpu.memory_space<hbm>>, %arg7: memref<327680x256xf32, #tpu.memory_space<hbm>>, %arg8: memref<80x128xi32, #tpu.memory_space<vmem>>, %arg9: memref<80x128xi32, #tpu.memory_space<vmem>>, %arg10: memref<128x128xf32, #tpu.memory_space<vmem>>, %arg11: memref<128x256xf32, #tpu.memory_space<vmem>>, %arg12: memref<128x128xf32, #tpu.memory_space<vmem>>, %arg13: memref<128x256xf32, #tpu.memory_space<vmem>>, %arg14: memref<!tpu.dma_semaphore, #tpu.memory_space<semaphore_mem>>, %arg15: memref<!tpu.dma_semaphore, #tpu.memory_space<semaphore_mem>>) attributes {dimension_semantics = [#tpu.dimension_semantics<core_parallel>, #tpu.dimension_semantics<subcore_parallel>], iteration_bounds = array<i64: 2, 16>, scalar_prefetch = 0 : i64, scratch_operands = 8 : i64, tpu.core_type = #tpu.core_type<sc_vector_subcore>, window_params = [{transform_indices = #map}, {transform_indices = #map}, {transform_indices = #map1}, {transform_indices = #map1}, {transform_indices = #map1}, {transform_indices = #map1}]} {
    %mul3A = arith.constant 2 : i32
    %mul3A_0 = arith.muli %arg1, %mul3A : i32
    %add3A = arith.addi %mul3A_0, %arg0 : i32
    "tpu.region"() ({
      %run_scoped3A = tpu.sem_alloc : memref<!tpu.dma_semaphore, #tpu.memory_space<semaphore_mem>>
      %dma_start3A = arith.constant 0 : i32
      %dma_start3A_6 = arith.constant 0 : i32
      %dma_start3A_7 = tpu.memref_slice %arg2[%add3A, %dma_start3A, %dma_start3A_6] : memref<32x80x128xi32, #tpu.memory_space<hbm>> -> memref<1x80x128xi32, #tpu.memory_space<hbm>>
      %dma_start3A_8 = tpu.memref_squeeze %dma_start3A_7 : memref<1x80x128xi32, #tpu.memory_space<hbm>> -> memref<80x128xi32, #tpu.memory_space<hbm>>
      %dma_start3A_9 = arith.constant 0 : i32
      %dma_start3A_10 = arith.constant 0 : i32
      %dma_start3A_11 = tpu.memref_slice %arg2[%add3A, %dma_start3A_9, %dma_start3A_10] : memref<32x80x128xi32, #tpu.memory_space<hbm>> -> memref<1x80x128xi32, #tpu.memory_space<hbm>>
      %dma_start3A_12 = tpu.memref_squeeze %dma_start3A_11 : memref<1x80x128xi32, #tpu.memory_space<hbm>> -> memref<80x128xi32, #tpu.memory_space<hbm>>
      tpu.enqueue_dma source(%dma_start3A_12 : memref<80x128xi32, #tpu.memory_space<hbm>>) target(%arg8 : memref<80x128xi32, #tpu.memory_space<vmem>>) target_semaphore(%run_scoped3A : memref<!tpu.dma_semaphore, #tpu.memory_space<semaphore_mem>>)
      %dma_wait3A = arith.constant 0 : i32
      %dma_wait3A_13 = arith.constant 0 : i32
      %dma_wait3A_14 = tpu.memref_slice %arg2[%add3A, %dma_wait3A, %dma_wait3A_13] : memref<32x80x128xi32, #tpu.memory_space<hbm>> -> memref<1x80x128xi32, #tpu.memory_space<hbm>>
      %dma_wait3A_15 = tpu.memref_squeeze %dma_wait3A_14 : memref<1x80x128xi32, #tpu.memory_space<hbm>> -> memref<80x128xi32, #tpu.memory_space<hbm>>
      %dma_wait3A_16 = arith.constant 0 : i32
      %dma_wait3A_17 = arith.constant 0 : i32
      %dma_wait3A_18 = tpu.memref_slice %arg2[%add3A, %dma_wait3A_16, %dma_wait3A_17] : memref<32x80x128xi32, #tpu.memory_space<hbm>> -> memref<1x80x128xi32, #tpu.memory_space<hbm>>
      %dma_wait3A_19 = tpu.memref_squeeze %dma_wait3A_18 : memref<1x80x128xi32, #tpu.memory_space<hbm>> -> memref<80x128xi32, #tpu.memory_space<hbm>>
      tpu.wait_dma2 semaphore(%run_scoped3A : memref<!tpu.dma_semaphore, #tpu.memory_space<semaphore_mem>>) src(%dma_wait3A_19 : memref<80x128xi32, #tpu.memory_space<hbm>>) dst(%arg8 : memref<80x128xi32, #tpu.memory_space<vmem>>)
      tpu.yield
    }) : () -> ()
    "tpu.region"() ({
      %run_scoped3A = tpu.sem_alloc : memref<!tpu.dma_semaphore, #tpu.memory_space<semaphore_mem>>
      %dma_start3A = arith.constant 0 : i32
      %dma_start3A_6 = arith.constant 0 : i32
      %dma_start3A_7 = tpu.memref_slice %arg3[%add3A, %dma_start3A, %dma_start3A_6] : memref<32x80x128xi32, #tpu.memory_space<hbm>> -> memref<1x80x128xi32, #tpu.memory_space<hbm>>
      %dma_start3A_8 = tpu.memref_squeeze %dma_start3A_7 : memref<1x80x128xi32, #tpu.memory_space<hbm>> -> memref<80x128xi32, #tpu.memory_space<hbm>>
      %dma_start3A_9 = arith.constant 0 : i32
      %dma_start3A_10 = arith.constant 0 : i32
      %dma_start3A_11 = tpu.memref_slice %arg3[%add3A, %dma_start3A_9, %dma_start3A_10] : memref<32x80x128xi32, #tpu.memory_space<hbm>> -> memref<1x80x128xi32, #tpu.memory_space<hbm>>
      %dma_start3A_12 = tpu.memref_squeeze %dma_start3A_11 : memref<1x80x128xi32, #tpu.memory_space<hbm>> -> memref<80x128xi32, #tpu.memory_space<hbm>>
      tpu.enqueue_dma source(%dma_start3A_12 : memref<80x128xi32, #tpu.memory_space<hbm>>) target(%arg9 : memref<80x128xi32, #tpu.memory_space<vmem>>) target_semaphore(%run_scoped3A : memref<!tpu.dma_semaphore, #tpu.memory_space<semaphore_mem>>)
      %dma_wait3A = arith.constant 0 : i32
      %dma_wait3A_13 = arith.constant 0 : i32
      %dma_wait3A_14 = tpu.memref_slice %arg3[%add3A, %dma_wait3A, %dma_wait3A_13] : memref<32x80x128xi32, #tpu.memory_space<hbm>> -> memref<1x80x128xi32, #tpu.memory_space<hbm>>
      %dma_wait3A_15 = tpu.memref_squeeze %dma_wait3A_14 : memref<1x80x128xi32, #tpu.memory_space<hbm>> -> memref<80x128xi32, #tpu.memory_space<hbm>>
      %dma_wait3A_16 = arith.constant 0 : i32
      %dma_wait3A_17 = arith.constant 0 : i32
      %dma_wait3A_18 = tpu.memref_slice %arg3[%add3A, %dma_wait3A_16, %dma_wait3A_17] : memref<32x80x128xi32, #tpu.memory_space<hbm>> -> memref<1x80x128xi32, #tpu.memory_space<hbm>>
      %dma_wait3A_19 = tpu.memref_squeeze %dma_wait3A_18 : memref<1x80x128xi32, #tpu.memory_space<hbm>> -> memref<80x128xi32, #tpu.memory_space<hbm>>
      tpu.wait_dma2 semaphore(%run_scoped3A : memref<!tpu.dma_semaphore, #tpu.memory_space<semaphore_mem>>) src(%dma_wait3A_19 : memref<80x128xi32, #tpu.memory_space<hbm>>) dst(%arg9 : memref<80x128xi32, #tpu.memory_space<vmem>>)
      tpu.yield
    }) : () -> ()
    %scan3A = arith.constant 0 : i32
    %scan3A_1 = arith.constant 0 : i32
    %scan3A_2 = arith.constant 40 : i32
    %scan3A_3 = arith.addi %scan3A_1, %scan3A_2 : i32
    %scan3A_4 = arith.constant 1 : i32
    scf.for %scan3A_6 = %scan3A_1 to %scan3A_3 step %scan3A_4  : i32 {
      %mul3A_7 = arith.constant 2 : i32
      %mul3A_8 = arith.muli %mul3A_7, %scan3A_6 : i32
      %add3A_9 = arith.constant 1 : i32
      %add3A_10 = arith.addi %mul3A_8, %add3A_9 : i32
      %mul3A_11 = arith.constant 10240 : i32
      %mul3A_12 = arith.muli %add3A, %mul3A_11 : i32
      %mul3A_13 = arith.constant 128 : i32
      %mul3A_14 = arith.muli %mul3A_8, %mul3A_13 : i32
      %add3A_15 = arith.addi %mul3A_12, %mul3A_14 : i32
      %add3A_16 = arith.constant 128 : i32
      %add3A_17 = arith.addi %add3A_15, %add3A_16 : i32
      %dma_start3A = arith.constant 0 : i32
      %dma_start3A_18 = tpu.memref_slice %arg8[%mul3A_8, %dma_start3A] : memref<80x128xi32, #tpu.memory_space<vmem>> -> memref<1x128xi32, #tpu.memory_space<vmem>>
      %dma_start3A_19 = tpu.memref_squeeze %dma_start3A_18 : memref<1x128xi32, #tpu.memory_space<vmem>> -> memref<128xi32, #tpu.memory_space<vmem>>
      %dma_start3A_20 = arith.constant 0 : i32
      %dma_start3A_21 = arith.constant 0 : i32
      %dma_start3A_22 = tpu.memref_slice %arg4[%dma_start3A_20, %dma_start3A_21] : memref<10008x128xf32, #tpu.memory_space<hbm>> -> memref<10008x128xf32, #tpu.memory_space<hbm>>
      tpu.enqueue_indirect_dma source(%dma_start3A_22 : memref<10008x128xf32, #tpu.memory_space<hbm>>) target(%arg10 : memref<128x128xf32, #tpu.memory_space<vmem>>) offsets(%dma_start3A_19 : memref<128xi32, #tpu.memory_space<vmem>>) semaphore(%arg14 : memref<!tpu.dma_semaphore, #tpu.memory_space<semaphore_mem>>)
      %dma_start3A_23 = arith.constant 0 : i32
      %dma_start3A_24 = tpu.memref_slice %arg9[%mul3A_8, %dma_start3A_23] : memref<80x128xi32, #tpu.memory_space<vmem>> -> memref<1x128xi32, #tpu.memory_space<vmem>>
      %dma_start3A_25 = tpu.memref_squeeze %dma_start3A_24 : memref<1x128xi32, #tpu.memory_space<vmem>> -> memref<128xi32, #tpu.memory_space<vmem>>
      %dma_start3A_26 = arith.constant 0 : i32
      %dma_start3A_27 = arith.constant 0 : i32
      %dma_start3A_28 = tpu.memref_slice %arg5[%dma_start3A_26, %dma_start3A_27] : memref<10008x256xf32, #tpu.memory_space<hbm>> -> memref<10008x256xf32, #tpu.memory_space<hbm>>
      tpu.enqueue_indirect_dma source(%dma_start3A_28 : memref<10008x256xf32, #tpu.memory_space<hbm>>) target(%arg11 : memref<128x256xf32, #tpu.memory_space<vmem>>) offsets(%dma_start3A_25 : memref<128xi32, #tpu.memory_space<vmem>>) semaphore(%arg14 : memref<!tpu.dma_semaphore, #tpu.memory_space<semaphore_mem>>)
      %dma_start3A_29 = arith.constant 0 : i32
      %dma_start3A_30 = tpu.memref_slice %arg8[%add3A_10, %dma_start3A_29] : memref<80x128xi32, #tpu.memory_space<vmem>> -> memref<1x128xi32, #tpu.memory_space<vmem>>
      %dma_start3A_31 = tpu.memref_squeeze %dma_start3A_30 : memref<1x128xi32, #tpu.memory_space<vmem>> -> memref<128xi32, #tpu.memory_space<vmem>>
      %dma_start3A_32 = arith.constant 0 : i32
      %dma_start3A_33 = arith.constant 0 : i32
      %dma_start3A_34 = tpu.memref_slice %arg4[%dma_start3A_32, %dma_start3A_33] : memref<10008x128xf32, #tpu.memory_space<hbm>> -> memref<10008x128xf32, #tpu.memory_space<hbm>>
      tpu.enqueue_indirect_dma source(%dma_start3A_34 : memref<10008x128xf32, #tpu.memory_space<hbm>>) target(%arg12 : memref<128x128xf32, #tpu.memory_space<vmem>>) offsets(%dma_start3A_31 : memref<128xi32, #tpu.memory_space<vmem>>) semaphore(%arg15 : memref<!tpu.dma_semaphore, #tpu.memory_space<semaphore_mem>>)
      %dma_start3A_35 = arith.constant 0 : i32
      %dma_start3A_36 = tpu.memref_slice %arg9[%add3A_10, %dma_start3A_35] : memref<80x128xi32, #tpu.memory_space<vmem>> -> memref<1x128xi32, #tpu.memory_space<vmem>>
      %dma_start3A_37 = tpu.memref_squeeze %dma_start3A_36 : memref<1x128xi32, #tpu.memory_space<vmem>> -> memref<128xi32, #tpu.memory_space<vmem>>
      %dma_start3A_38 = arith.constant 0 : i32
      %dma_start3A_39 = arith.constant 0 : i32
      %dma_start3A_40 = tpu.memref_slice %arg5[%dma_start3A_38, %dma_start3A_39] : memref<10008x256xf32, #tpu.memory_space<hbm>> -> memref<10008x256xf32, #tpu.memory_space<hbm>>
      tpu.enqueue_indirect_dma source(%dma_start3A_40 : memref<10008x256xf32, #tpu.memory_space<hbm>>) target(%arg13 : memref<128x256xf32, #tpu.memory_space<vmem>>) offsets(%dma_start3A_37 : memref<128xi32, #tpu.memory_space<vmem>>) semaphore(%arg15 : memref<!tpu.dma_semaphore, #tpu.memory_space<semaphore_mem>>)
      %dma_wait3A = arith.constant 0 : i32
      %dma_wait3A_41 = tpu.memref_slice %arg8[%mul3A_8, %dma_wait3A] : memref<80x128xi32, #tpu.memory_space<vmem>> -> memref<1x128xi32, #tpu.memory_space<vmem>>
      %dma_wait3A_42 = tpu.memref_squeeze %dma_wait3A_41 : memref<1x128xi32, #tpu.memory_space<vmem>> -> memref<128xi32, #tpu.memory_space<vmem>>
      %dma_wait3A_43 = arith.constant 0 : i32
      %dma_wait3A_44 = arith.constant 0 : i32
      %dma_wait3A_45 = tpu.memref_slice %arg4[%dma_wait3A_43, %dma_wait3A_44] : memref<10008x128xf32, #tpu.memory_space<hbm>> -> memref<10008x128xf32, #tpu.memory_space<hbm>>
      tpu.wait_indirect_dma semaphore(%arg14 : memref<!tpu.dma_semaphore, #tpu.memory_space<semaphore_mem>>) src(%dma_wait3A_45 : memref<10008x128xf32, #tpu.memory_space<hbm>>) dst(%arg10 : memref<128x128xf32, #tpu.memory_space<vmem>>)
      %dma_wait3A_46 = arith.constant 0 : i32
      %dma_wait3A_47 = tpu.memref_slice %arg9[%mul3A_8, %dma_wait3A_46] : memref<80x128xi32, #tpu.memory_space<vmem>> -> memref<1x128xi32, #tpu.memory_space<vmem>>
      %dma_wait3A_48 = tpu.memref_squeeze %dma_wait3A_47 : memref<1x128xi32, #tpu.memory_space<vmem>> -> memref<128xi32, #tpu.memory_space<vmem>>
      %dma_wait3A_49 = arith.constant 0 : i32
      %dma_wait3A_50 = arith.constant 0 : i32
      %dma_wait3A_51 = tpu.memref_slice %arg5[%dma_wait3A_49, %dma_wait3A_50] : memref<10008x256xf32, #tpu.memory_space<hbm>> -> memref<10008x256xf32, #tpu.memory_space<hbm>>
      tpu.wait_indirect_dma semaphore(%arg14 : memref<!tpu.dma_semaphore, #tpu.memory_space<semaphore_mem>>) src(%dma_wait3A_51 : memref<10008x256xf32, #tpu.memory_space<hbm>>) dst(%arg11 : memref<128x256xf32, #tpu.memory_space<vmem>>)
      "tpu.region"() ({
        %run_scoped3A = tpu.sem_alloc : memref<!tpu.dma_semaphore, #tpu.memory_space<semaphore_mem>>
        %dma_start3A_64 = arith.constant 0 : i32
        %dma_start3A_65 = tpu.memref_slice %arg6[%add3A_15, %dma_start3A_64] : memref<327680x128xf32, #tpu.memory_space<hbm>> -> memref<128x128xf32, #tpu.memory_space<hbm>>
        %dma_start3A_66 = arith.constant 0 : i32
        %dma_start3A_67 = tpu.memref_slice %arg6[%add3A_15, %dma_start3A_66] : memref<327680x128xf32, #tpu.memory_space<hbm>> -> memref<128x128xf32, #tpu.memory_space<hbm>>
        tpu.enqueue_dma source(%arg10 : memref<128x128xf32, #tpu.memory_space<vmem>>) target(%dma_start3A_67 : memref<128x128xf32, #tpu.memory_space<hbm>>) target_semaphore(%run_scoped3A : memref<!tpu.dma_semaphore, #tpu.memory_space<semaphore_mem>>)
        %dma_wait3A_68 = arith.constant 0 : i32
        %dma_wait3A_69 = tpu.memref_slice %arg6[%add3A_15, %dma_wait3A_68] : memref<327680x128xf32, #tpu.memory_space<hbm>> -> memref<128x128xf32, #tpu.memory_space<hbm>>
        %dma_wait3A_70 = arith.constant 0 : i32
        %dma_wait3A_71 = tpu.memref_slice %arg6[%add3A_15, %dma_wait3A_70] : memref<327680x128xf32, #tpu.memory_space<hbm>> -> memref<128x128xf32, #tpu.memory_space<hbm>>
        tpu.wait_dma2 semaphore(%run_scoped3A : memref<!tpu.dma_semaphore, #tpu.memory_space<semaphore_mem>>) src(%arg10 : memref<128x128xf32, #tpu.memory_space<vmem>>) dst(%dma_wait3A_71 : memref<128x128xf32, #tpu.memory_space<hbm>>)
        tpu.yield
      }) : () -> ()
      "tpu.region"() ({
        %run_scoped3A = tpu.sem_alloc : memref<!tpu.dma_semaphore, #tpu.memory_space<semaphore_mem>>
        %dma_start3A_64 = arith.constant 0 : i32
        %dma_start3A_65 = tpu.memref_slice %arg7[%add3A_15, %dma_start3A_64] : memref<327680x256xf32, #tpu.memory_space<hbm>> -> memref<128x256xf32, #tpu.memory_space<hbm>>
        %dma_start3A_66 = arith.constant 0 : i32
        %dma_start3A_67 = tpu.memref_slice %arg7[%add3A_15, %dma_start3A_66] : memref<327680x256xf32, #tpu.memory_space<hbm>> -> memref<128x256xf32, #tpu.memory_space<hbm>>
        tpu.enqueue_dma source(%arg11 : memref<128x256xf32, #tpu.memory_space<vmem>>) target(%dma_start3A_67 : memref<128x256xf32, #tpu.memory_space<hbm>>) target_semaphore(%run_scoped3A : memref<!tpu.dma_semaphore, #tpu.memory_space<semaphore_mem>>)
        %dma_wait3A_68 = arith.constant 0 : i32
        %dma_wait3A_69 = tpu.memref_slice %arg7[%add3A_15, %dma_wait3A_68] : memref<327680x256xf32, #tpu.memory_space<hbm>> -> memref<128x256xf32, #tpu.memory_space<hbm>>
        %dma_wait3A_70 = arith.constant 0 : i32
        %dma_wait3A_71 = tpu.memref_slice %arg7[%add3A_15, %dma_wait3A_70] : memref<327680x256xf32, #tpu.memory_space<hbm>> -> memref<128x256xf32, #tpu.memory_space<hbm>>
        tpu.wait_dma2 semaphore(%run_scoped3A : memref<!tpu.dma_semaphore, #tpu.memory_space<semaphore_mem>>) src(%arg11 : memref<128x256xf32, #tpu.memory_space<vmem>>) dst(%dma_wait3A_71 : memref<128x256xf32, #tpu.memory_space<hbm>>)
        tpu.yield
      }) : () -> ()
      %dma_wait3A_52 = arith.constant 0 : i32
      %dma_wait3A_53 = tpu.memref_slice %arg8[%add3A_10, %dma_wait3A_52] : memref<80x128xi32, #tpu.memory_space<vmem>> -> memref<1x128xi32, #tpu.memory_space<vmem>>
      %dma_wait3A_54 = tpu.memref_squeeze %dma_wait3A_53 : memref<1x128xi32, #tpu.memory_space<vmem>> -> memref<128xi32, #tpu.memory_space<vmem>>
      %dma_wait3A_55 = arith.constant 0 : i32
      %dma_wait3A_56 = arith.constant 0 : i32
      %dma_wait3A_57 = tpu.memref_slice %arg4[%dma_wait3A_55, %dma_wait3A_56] : memref<10008x128xf32, #tpu.memory_space<hbm>> -> memref<10008x128xf32, #tpu.memory_space<hbm>>
      tpu.wait_indirect_dma semaphore(%arg15 : memref<!tpu.dma_semaphore, #tpu.memory_space<semaphore_mem>>) src(%dma_wait3A_57 : memref<10008x128xf32, #tpu.memory_space<hbm>>) dst(%arg12 : memref<128x128xf32, #tpu.memory_space<vmem>>)
      %dma_wait3A_58 = arith.constant 0 : i32
      %dma_wait3A_59 = tpu.memref_slice %arg9[%add3A_10, %dma_wait3A_58] : memref<80x128xi32, #tpu.memory_space<vmem>> -> memref<1x128xi32, #tpu.memory_space<vmem>>
      %dma_wait3A_60 = tpu.memref_squeeze %dma_wait3A_59 : memref<1x128xi32, #tpu.memory_space<vmem>> -> memref<128xi32, #tpu.memory_space<vmem>>
      %dma_wait3A_61 = arith.constant 0 : i32
      %dma_wait3A_62 = arith.constant 0 : i32
      %dma_wait3A_63 = tpu.memref_slice %arg5[%dma_wait3A_61, %dma_wait3A_62] : memref<10008x256xf32, #tpu.memory_space<hbm>> -> memref<10008x256xf32, #tpu.memory_space<hbm>>
      tpu.wait_indirect_dma semaphore(%arg15 : memref<!tpu.dma_semaphore, #tpu.memory_space<semaphore_mem>>) src(%dma_wait3A_63 : memref<10008x256xf32, #tpu.memory_space<hbm>>) dst(%arg13 : memref<128x256xf32, #tpu.memory_space<vmem>>)
      "tpu.region"() ({
        %run_scoped3A = tpu.sem_alloc : memref<!tpu.dma_semaphore, #tpu.memory_space<semaphore_mem>>
        %dma_start3A_64 = arith.constant 0 : i32
        %dma_start3A_65 = tpu.memref_slice %arg6[%add3A_17, %dma_start3A_64] : memref<327680x128xf32, #tpu.memory_space<hbm>> -> memref<128x128xf32, #tpu.memory_space<hbm>>
        %dma_start3A_66 = arith.constant 0 : i32
        %dma_start3A_67 = tpu.memref_slice %arg6[%add3A_17, %dma_start3A_66] : memref<327680x128xf32, #tpu.memory_space<hbm>> -> memref<128x128xf32, #tpu.memory_space<hbm>>
        tpu.enqueue_dma source(%arg12 : memref<128x128xf32, #tpu.memory_space<vmem>>) target(%dma_start3A_67 : memref<128x128xf32, #tpu.memory_space<hbm>>) target_semaphore(%run_scoped3A : memref<!tpu.dma_semaphore, #tpu.memory_space<semaphore_mem>>)
        %dma_wait3A_68 = arith.constant 0 : i32
        %dma_wait3A_69 = tpu.memref_slice %arg6[%add3A_17, %dma_wait3A_68] : memref<327680x128xf32, #tpu.memory_space<hbm>> -> memref<128x128xf32, #tpu.memory_space<hbm>>
        %dma_wait3A_70 = arith.constant 0 : i32
        %dma_wait3A_71 = tpu.memref_slice %arg6[%add3A_17, %dma_wait3A_70] : memref<327680x128xf32, #tpu.memory_space<hbm>> -> memref<128x128xf32, #tpu.memory_space<hbm>>
        tpu.wait_dma2 semaphore(%run_scoped3A : memref<!tpu.dma_semaphore, #tpu.memory_space<semaphore_mem>>) src(%arg12 : memref<128x128xf32, #tpu.memory_space<vmem>>) dst(%dma_wait3A_71 : memref<128x128xf32, #tpu.memory_space<hbm>>)
        tpu.yield
      }) : () -> ()
      "tpu.region"() ({
        %run_scoped3A = tpu.sem_alloc : memref<!tpu.dma_semaphore, #tpu.memory_space<semaphore_mem>>
        %dma_start3A_64 = arith.constant 0 : i32
        %dma_start3A_65 = tpu.memref_slice %arg7[%add3A_17, %dma_start3A_64] : memref<327680x256xf32, #tpu.memory_space<hbm>> -> memref<128x256xf32, #tpu.memory_space<hbm>>
        %dma_start3A_66 = arith.constant 0 : i32
        %dma_start3A_67 = tpu.memref_slice %arg7[%add3A_17, %dma_start3A_66] : memref<327680x256xf32, #tpu.memory_space<hbm>> -> memref<128x256xf32, #tpu.memory_space<hbm>>
        tpu.enqueue_dma source(%arg13 : memref<128x256xf32, #tpu.memory_space<vmem>>) target(%dma_start3A_67 : memref<128x256xf32, #tpu.memory_space<hbm>>) target_semaphore(%run_scoped3A : memref<!tpu.dma_semaphore, #tpu.memory_space<semaphore_mem>>)
        %dma_wait3A_68 = arith.constant 0 : i32
        %dma_wait3A_69 = tpu.memref_slice %arg7[%add3A_17, %dma_wait3A_68] : memref<327680x256xf32, #tpu.memory_space<hbm>> -> memref<128x256xf32, #tpu.memory_space<hbm>>
        %dma_wait3A_70 = arith.constant 0 : i32
        %dma_wait3A_71 = tpu.memref_slice %arg7[%add3A_17, %dma_wait3A_70] : memref<327680x256xf32, #tpu.memory_space<hbm>> -> memref<128x256xf32, #tpu.memory_space<hbm>>
        tpu.wait_dma2 semaphore(%run_scoped3A : memref<!tpu.dma_semaphore, #tpu.memory_space<semaphore_mem>>) src(%arg13 : memref<128x256xf32, #tpu.memory_space<vmem>>) dst(%dma_wait3A_71 : memref<128x256xf32, #tpu.memory_space<hbm>>)
        tpu.yield
      }) : () -> ()
    }
    %scan3A_5 = arith.constant 40 : i32
    return
  }
}

#map = affine_map<(d0, d1) -> (0, 0, 0)>
#map1 = affine_map<(d0, d1) -> (0, 0)>
module attributes {stable_mosaic.version = 14 : i64} {
  func.func @k(%arg0: i32, %arg1: i32, %arg2: memref<16x160x128xi32, #tpu.memory_space<hbm>>, %arg3: memref<327680x128xf32, #tpu.memory_space<hbm>>, %arg4: memref<327680x128xf32, #tpu.memory_space<hbm>>, %arg5: memref<10008x128xf32, #tpu.memory_space<hbm>>, %arg6: memref<2x10008x128xf32, #tpu.memory_space<hbm>>, %arg7: memref<160x128xi32, #tpu.memory_space<vmem>>, %arg8: memref<128x128xf32, #tpu.memory_space<vmem>>, %arg9: memref<10008x128xf32, #tpu.memory_space<vmem_shared>>) attributes {dimension_semantics = [#tpu.dimension_semantics<core_parallel>, #tpu.dimension_semantics<subcore_parallel>], iteration_bounds = array<i64: 2, 16>, scalar_prefetch = 0 : i64, scratch_operands = 3 : i64, tpu.core_type = #tpu.core_type<sc_vector_subcore>, window_params = [{transform_indices = #map}, {transform_indices = #map1}, {transform_indices = #map1}, {transform_indices = #map1}, {transform_indices = #map}]} {
    %eq3A = arith.constant 0 : i32
    %eq3A_0 = arith.cmpi eq, %arg1, %eq3A : i32
    %convert_element_type3A = arith.extui %eq3A_0 : i1 to i32
    %cond3A = arith.constant 0 : i32
    %cond3A_1 = arith.cmpi ne, %convert_element_type3A, %cond3A : i32
    scf.if %cond3A_1 {
      "tpu.region"() ({
        %run_scoped3A = tpu.sem_alloc : memref<!tpu.dma_semaphore, #tpu.memory_space<semaphore_mem>>
        tpu.enqueue_dma source(%arg5 : memref<10008x128xf32, #tpu.memory_space<hbm>>) target(%arg9 : memref<10008x128xf32, #tpu.memory_space<vmem_shared>>) target_semaphore(%run_scoped3A : memref<!tpu.dma_semaphore, #tpu.memory_space<semaphore_mem>>)
        tpu.wait_dma2 semaphore(%run_scoped3A : memref<!tpu.dma_semaphore, #tpu.memory_space<semaphore_mem>>) src(%arg5 : memref<10008x128xf32, #tpu.memory_space<hbm>>) dst(%arg9 : memref<10008x128xf32, #tpu.memory_space<vmem_shared>>)
        tpu.yield
      }) : () -> ()
    } else {
    }
    %barrier3A = arith.constant 0 : index
    tpu.barrier barrier_id(%barrier3A)
    "tpu.region"() ({
      %run_scoped3A = tpu.sem_alloc : memref<!tpu.dma_semaphore, #tpu.memory_space<semaphore_mem>>
      %dma_start3A = arith.constant 0 : i32
      %dma_start3A_18 = arith.constant 0 : i32
      %dma_start3A_19 = tpu.memref_slice %arg2[%arg1, %dma_start3A, %dma_start3A_18] : memref<16x160x128xi32, #tpu.memory_space<hbm>> -> memref<1x160x128xi32, #tpu.memory_space<hbm>>
      %dma_start3A_20 = tpu.memref_squeeze %dma_start3A_19 : memref<1x160x128xi32, #tpu.memory_space<hbm>> -> memref<160x128xi32, #tpu.memory_space<hbm>>
      %dma_start3A_21 = arith.constant 0 : i32
      %dma_start3A_22 = arith.constant 0 : i32
      %dma_start3A_23 = tpu.memref_slice %arg2[%arg1, %dma_start3A_21, %dma_start3A_22] : memref<16x160x128xi32, #tpu.memory_space<hbm>> -> memref<1x160x128xi32, #tpu.memory_space<hbm>>
      %dma_start3A_24 = tpu.memref_squeeze %dma_start3A_23 : memref<1x160x128xi32, #tpu.memory_space<hbm>> -> memref<160x128xi32, #tpu.memory_space<hbm>>
      tpu.enqueue_dma source(%dma_start3A_24 : memref<160x128xi32, #tpu.memory_space<hbm>>) target(%arg7 : memref<160x128xi32, #tpu.memory_space<vmem>>) target_semaphore(%run_scoped3A : memref<!tpu.dma_semaphore, #tpu.memory_space<semaphore_mem>>)
      %dma_wait3A = arith.constant 0 : i32
      %dma_wait3A_25 = arith.constant 0 : i32
      %dma_wait3A_26 = tpu.memref_slice %arg2[%arg1, %dma_wait3A, %dma_wait3A_25] : memref<16x160x128xi32, #tpu.memory_space<hbm>> -> memref<1x160x128xi32, #tpu.memory_space<hbm>>
      %dma_wait3A_27 = tpu.memref_squeeze %dma_wait3A_26 : memref<1x160x128xi32, #tpu.memory_space<hbm>> -> memref<160x128xi32, #tpu.memory_space<hbm>>
      %dma_wait3A_28 = arith.constant 0 : i32
      %dma_wait3A_29 = arith.constant 0 : i32
      %dma_wait3A_30 = tpu.memref_slice %arg2[%arg1, %dma_wait3A_28, %dma_wait3A_29] : memref<16x160x128xi32, #tpu.memory_space<hbm>> -> memref<1x160x128xi32, #tpu.memory_space<hbm>>
      %dma_wait3A_31 = tpu.memref_squeeze %dma_wait3A_30 : memref<1x160x128xi32, #tpu.memory_space<hbm>> -> memref<160x128xi32, #tpu.memory_space<hbm>>
      tpu.wait_dma2 semaphore(%run_scoped3A : memref<!tpu.dma_semaphore, #tpu.memory_space<semaphore_mem>>) src(%dma_wait3A_31 : memref<160x128xi32, #tpu.memory_space<hbm>>) dst(%arg7 : memref<160x128xi32, #tpu.memory_space<vmem>>)
      tpu.yield
    }) : () -> ()
    %eq3A_2 = arith.constant 0 : i32
    %eq3A_3 = arith.cmpi eq, %arg0, %eq3A_2 : i32
    %convert_element_type3A_4 = arith.extui %eq3A_3 : i1 to i32
    %cond3A_5 = arith.constant 0 : i32
    %cond3A_6 = arith.cmpi ne, %convert_element_type3A_4, %cond3A_5 : i32
    scf.if %cond3A_6 {
      %scan3A = arith.constant 0 : i32
      %scan3A_18 = arith.constant 0 : i32
      %scan3A_19 = arith.constant 160 : i32
      %scan3A_20 = arith.addi %scan3A_18, %scan3A_19 : i32
      %scan3A_21 = arith.constant 1 : i32
      scf.for %scan3A_23 = %scan3A_18 to %scan3A_20 step %scan3A_21  : i32 {
        %mul3A = arith.constant 20480 : i32
        %mul3A_24 = arith.muli %arg1, %mul3A : i32
        %mul3A_25 = arith.constant 128 : i32
        %mul3A_26 = arith.muli %scan3A_23, %mul3A_25 : i32
        %add3A = arith.addi %mul3A_24, %mul3A_26 : i32
        "tpu.region"() ({
          %run_scoped3A = tpu.sem_alloc : memref<!tpu.dma_semaphore, #tpu.memory_space<semaphore_mem>>
          %dma_start3A = arith.constant 0 : i32
          %dma_start3A_27 = tpu.memref_slice %arg3[%add3A, %dma_start3A] : memref<327680x128xf32, #tpu.memory_space<hbm>> -> memref<128x128xf32, #tpu.memory_space<hbm>>
          %dma_start3A_28 = arith.constant 0 : i32
          %dma_start3A_29 = tpu.memref_slice %arg3[%add3A, %dma_start3A_28] : memref<327680x128xf32, #tpu.memory_space<hbm>> -> memref<128x128xf32, #tpu.memory_space<hbm>>
          tpu.enqueue_dma source(%dma_start3A_29 : memref<128x128xf32, #tpu.memory_space<hbm>>) target(%arg8 : memref<128x128xf32, #tpu.memory_space<vmem>>) target_semaphore(%run_scoped3A : memref<!tpu.dma_semaphore, #tpu.memory_space<semaphore_mem>>)
          %dma_wait3A = arith.constant 0 : i32
          %dma_wait3A_30 = tpu.memref_slice %arg3[%add3A, %dma_wait3A] : memref<327680x128xf32, #tpu.memory_space<hbm>> -> memref<128x128xf32, #tpu.memory_space<hbm>>
          %dma_wait3A_31 = arith.constant 0 : i32
          %dma_wait3A_32 = tpu.memref_slice %arg3[%add3A, %dma_wait3A_31] : memref<327680x128xf32, #tpu.memory_space<hbm>> -> memref<128x128xf32, #tpu.memory_space<hbm>>
          tpu.wait_dma2 semaphore(%run_scoped3A : memref<!tpu.dma_semaphore, #tpu.memory_space<semaphore_mem>>) src(%dma_wait3A_32 : memref<128x128xf32, #tpu.memory_space<hbm>>) dst(%arg8 : memref<128x128xf32, #tpu.memory_space<vmem>>)
          tpu.yield
        }) : () -> ()
        "tpu.region"() ({
          %run_scoped3A = tpu.sem_alloc : memref<!tpu.dma_semaphore, #tpu.memory_space<semaphore_mem>>
          %dma_start3A = arith.constant 0 : i32
          %dma_start3A_27 = tpu.memref_slice %arg7[%scan3A_23, %dma_start3A] : memref<160x128xi32, #tpu.memory_space<vmem>> -> memref<1x128xi32, #tpu.memory_space<vmem>>
          %dma_start3A_28 = tpu.memref_squeeze %dma_start3A_27 : memref<1x128xi32, #tpu.memory_space<vmem>> -> memref<128xi32, #tpu.memory_space<vmem>>
          %dma_start3A_29 = arith.constant 0 : i32
          %dma_start3A_30 = arith.constant 0 : i32
          %dma_start3A_31 = tpu.memref_slice %arg9[%dma_start3A_29, %dma_start3A_30] : memref<10008x128xf32, #tpu.memory_space<vmem_shared>> -> memref<10008x128xf32, #tpu.memory_space<vmem_shared>>
          tpu.enqueue_indirect_dma source(%arg8 : memref<128x128xf32, #tpu.memory_space<vmem>>) target(%dma_start3A_31 : memref<10008x128xf32, #tpu.memory_space<vmem_shared>>) offsets(%dma_start3A_28 : memref<128xi32, #tpu.memory_space<vmem>>) semaphore(%run_scoped3A : memref<!tpu.dma_semaphore, #tpu.memory_space<semaphore_mem>>) {add = true}
          %dma_wait3A = arith.constant 0 : i32
          %dma_wait3A_32 = tpu.memref_slice %arg7[%scan3A_23, %dma_wait3A] : memref<160x128xi32, #tpu.memory_space<vmem>> -> memref<1x128xi32, #tpu.memory_space<vmem>>
          %dma_wait3A_33 = tpu.memref_squeeze %dma_wait3A_32 : memref<1x128xi32, #tpu.memory_space<vmem>> -> memref<128xi32, #tpu.memory_space<vmem>>
          %dma_wait3A_34 = arith.constant 0 : i32
          %dma_wait3A_35 = arith.constant 0 : i32
          %dma_wait3A_36 = tpu.memref_slice %arg9[%dma_wait3A_34, %dma_wait3A_35] : memref<10008x128xf32, #tpu.memory_space<vmem_shared>> -> memref<10008x128xf32, #tpu.memory_space<vmem_shared>>
          tpu.wait_indirect_dma semaphore(%run_scoped3A : memref<!tpu.dma_semaphore, #tpu.memory_space<semaphore_mem>>) src(%arg8 : memref<128x128xf32, #tpu.memory_space<vmem>>) dst(%dma_wait3A_36 : memref<10008x128xf32, #tpu.memory_space<vmem_shared>>)
          tpu.yield
        }) : () -> ()
      }
      %scan3A_22 = arith.constant 160 : i32
    } else {
    }
    %eq3A_7 = arith.constant 1 : i32
    %eq3A_8 = arith.cmpi eq, %arg0, %eq3A_7 : i32
    %convert_element_type3A_9 = arith.extui %eq3A_8 : i1 to i32
    %cond3A_10 = arith.constant 0 : i32
    %cond3A_11 = arith.cmpi ne, %convert_element_type3A_9, %cond3A_10 : i32
    scf.if %cond3A_11 {
      %scan3A = arith.constant 0 : i32
      %scan3A_18 = arith.constant 0 : i32
      %scan3A_19 = arith.constant 160 : i32
      %scan3A_20 = arith.addi %scan3A_18, %scan3A_19 : i32
      %scan3A_21 = arith.constant 1 : i32
      scf.for %scan3A_23 = %scan3A_18 to %scan3A_20 step %scan3A_21  : i32 {
        %mul3A = arith.constant 20480 : i32
        %mul3A_24 = arith.muli %arg1, %mul3A : i32
        %mul3A_25 = arith.constant 128 : i32
        %mul3A_26 = arith.muli %scan3A_23, %mul3A_25 : i32
        %add3A = arith.addi %mul3A_24, %mul3A_26 : i32
        "tpu.region"() ({
          %run_scoped3A = tpu.sem_alloc : memref<!tpu.dma_semaphore, #tpu.memory_space<semaphore_mem>>
          %dma_start3A = arith.constant 0 : i32
          %dma_start3A_27 = tpu.memref_slice %arg4[%add3A, %dma_start3A] : memref<327680x128xf32, #tpu.memory_space<hbm>> -> memref<128x128xf32, #tpu.memory_space<hbm>>
          %dma_start3A_28 = arith.constant 0 : i32
          %dma_start3A_29 = tpu.memref_slice %arg4[%add3A, %dma_start3A_28] : memref<327680x128xf32, #tpu.memory_space<hbm>> -> memref<128x128xf32, #tpu.memory_space<hbm>>
          tpu.enqueue_dma source(%dma_start3A_29 : memref<128x128xf32, #tpu.memory_space<hbm>>) target(%arg8 : memref<128x128xf32, #tpu.memory_space<vmem>>) target_semaphore(%run_scoped3A : memref<!tpu.dma_semaphore, #tpu.memory_space<semaphore_mem>>)
          %dma_wait3A = arith.constant 0 : i32
          %dma_wait3A_30 = tpu.memref_slice %arg4[%add3A, %dma_wait3A] : memref<327680x128xf32, #tpu.memory_space<hbm>> -> memref<128x128xf32, #tpu.memory_space<hbm>>
          %dma_wait3A_31 = arith.constant 0 : i32
          %dma_wait3A_32 = tpu.memref_slice %arg4[%add3A, %dma_wait3A_31] : memref<327680x128xf32, #tpu.memory_space<hbm>> -> memref<128x128xf32, #tpu.memory_space<hbm>>
          tpu.wait_dma2 semaphore(%run_scoped3A : memref<!tpu.dma_semaphore, #tpu.memory_space<semaphore_mem>>) src(%dma_wait3A_32 : memref<128x128xf32, #tpu.memory_space<hbm>>) dst(%arg8 : memref<128x128xf32, #tpu.memory_space<vmem>>)
          tpu.yield
        }) : () -> ()
        "tpu.region"() ({
          %run_scoped3A = tpu.sem_alloc : memref<!tpu.dma_semaphore, #tpu.memory_space<semaphore_mem>>
          %dma_start3A = arith.constant 0 : i32
          %dma_start3A_27 = tpu.memref_slice %arg7[%scan3A_23, %dma_start3A] : memref<160x128xi32, #tpu.memory_space<vmem>> -> memref<1x128xi32, #tpu.memory_space<vmem>>
          %dma_start3A_28 = tpu.memref_squeeze %dma_start3A_27 : memref<1x128xi32, #tpu.memory_space<vmem>> -> memref<128xi32, #tpu.memory_space<vmem>>
          %dma_start3A_29 = arith.constant 0 : i32
          %dma_start3A_30 = arith.constant 0 : i32
          %dma_start3A_31 = tpu.memref_slice %arg9[%dma_start3A_29, %dma_start3A_30] : memref<10008x128xf32, #tpu.memory_space<vmem_shared>> -> memref<10008x128xf32, #tpu.memory_space<vmem_shared>>
          tpu.enqueue_indirect_dma source(%arg8 : memref<128x128xf32, #tpu.memory_space<vmem>>) target(%dma_start3A_31 : memref<10008x128xf32, #tpu.memory_space<vmem_shared>>) offsets(%dma_start3A_28 : memref<128xi32, #tpu.memory_space<vmem>>) semaphore(%run_scoped3A : memref<!tpu.dma_semaphore, #tpu.memory_space<semaphore_mem>>) {add = true}
          %dma_wait3A = arith.constant 0 : i32
          %dma_wait3A_32 = tpu.memref_slice %arg7[%scan3A_23, %dma_wait3A] : memref<160x128xi32, #tpu.memory_space<vmem>> -> memref<1x128xi32, #tpu.memory_space<vmem>>
          %dma_wait3A_33 = tpu.memref_squeeze %dma_wait3A_32 : memref<1x128xi32, #tpu.memory_space<vmem>> -> memref<128xi32, #tpu.memory_space<vmem>>
          %dma_wait3A_34 = arith.constant 0 : i32
          %dma_wait3A_35 = arith.constant 0 : i32
          %dma_wait3A_36 = tpu.memref_slice %arg9[%dma_wait3A_34, %dma_wait3A_35] : memref<10008x128xf32, #tpu.memory_space<vmem_shared>> -> memref<10008x128xf32, #tpu.memory_space<vmem_shared>>
          tpu.wait_indirect_dma semaphore(%run_scoped3A : memref<!tpu.dma_semaphore, #tpu.memory_space<semaphore_mem>>) src(%arg8 : memref<128x128xf32, #tpu.memory_space<vmem>>) dst(%dma_wait3A_36 : memref<10008x128xf32, #tpu.memory_space<vmem_shared>>)
          tpu.yield
        }) : () -> ()
      }
      %scan3A_22 = arith.constant 160 : i32
    } else {
    }
    %barrier3A_12 = arith.constant 0 : index
    tpu.barrier barrier_id(%barrier3A_12)
    %eq3A_13 = arith.constant 0 : i32
    %eq3A_14 = arith.cmpi eq, %arg1, %eq3A_13 : i32
    %convert_element_type3A_15 = arith.extui %eq3A_14 : i1 to i32
    %cond3A_16 = arith.constant 0 : i32
    %cond3A_17 = arith.cmpi ne, %convert_element_type3A_15, %cond3A_16 : i32
    scf.if %cond3A_17 {
      "tpu.region"() ({
        %run_scoped3A = tpu.sem_alloc : memref<!tpu.dma_semaphore, #tpu.memory_space<semaphore_mem>>
        %dma_start3A = arith.constant 0 : i32
        %dma_start3A_18 = arith.constant 0 : i32
        %dma_start3A_19 = tpu.memref_slice %arg6[%arg0, %dma_start3A, %dma_start3A_18] : memref<2x10008x128xf32, #tpu.memory_space<hbm>> -> memref<1x10008x128xf32, #tpu.memory_space<hbm>>
        %dma_start3A_20 = tpu.memref_squeeze %dma_start3A_19 : memref<1x10008x128xf32, #tpu.memory_space<hbm>> -> memref<10008x128xf32, #tpu.memory_space<hbm>>
        tpu.enqueue_dma source(%arg9 : memref<10008x128xf32, #tpu.memory_space<vmem_shared>>) target(%dma_start3A_20 : memref<10008x128xf32, #tpu.memory_space<hbm>>) target_semaphore(%run_scoped3A : memref<!tpu.dma_semaphore, #tpu.memory_space<semaphore_mem>>)
        %dma_wait3A = arith.constant 0 : i32
        %dma_wait3A_21 = arith.constant 0 : i32
        %dma_wait3A_22 = tpu.memref_slice %arg6[%arg0, %dma_wait3A, %dma_wait3A_21] : memref<2x10008x128xf32, #tpu.memory_space<hbm>> -> memref<1x10008x128xf32, #tpu.memory_space<hbm>>
        %dma_wait3A_23 = tpu.memref_squeeze %dma_wait3A_22 : memref<1x10008x128xf32, #tpu.memory_space<hbm>> -> memref<10008x128xf32, #tpu.memory_space<hbm>>
        tpu.wait_dma2 semaphore(%run_scoped3A : memref<!tpu.dma_semaphore, #tpu.memory_space<semaphore_mem>>) src(%arg9 : memref<10008x128xf32, #tpu.memory_space<vmem_shared>>) dst(%dma_wait3A_23 : memref<10008x128xf32, #tpu.memory_space<hbm>>)
        tpu.yield
      }) : () -> ()
    } else {
    }
    return
  }
}

module attributes {stable_mosaic.version = 14 : i64} {
  func.func @_dense_body(%arg0: i32, %arg1: memref<512x128xf32, #tpu.memory_space<vmem>>, %arg2: memref<512x256xf32, #tpu.memory_space<vmem>>, %arg3: memref<128x512xf32, #tpu.memory_space<vmem>>, %arg4: memref<128x512xf32, #tpu.memory_space<vmem>>, %arg5: memref<1x512xf32, #tpu.memory_space<vmem>>, %arg6: memref<512x128xf32, #tpu.memory_space<vmem>>, %arg7: memref<1x128xf32, #tpu.memory_space<vmem>>, %arg8: memref<1x128xf32, #tpu.memory_space<vmem>>, %arg9: memref<1x1xf32, #tpu.memory_space<vmem>>, %arg10: memref<512x128xf32, #tpu.memory_space<vmem>>, %arg11: memref<512x128xf32, #tpu.memory_space<vmem>>) attributes {dimension_semantics = [#tpu.dimension_semantics<arbitrary>], iteration_bounds = array<i64: 640>, scalar_prefetch = 0 : i64, scratch_operands = 0 : i64, tpu.core_type = #tpu.core_type<tc>, window_params = [{transform_indices = @transform_0, window_bounds = array<i64: 512, 128>}, {transform_indices = @transform_1, window_bounds = array<i64: 512, 256>}, {pipeline_mode = #tpu.pipeline_mode<synchronous>, transform_indices = @transform_2, window_bounds = array<i64: 128, 512>}, {pipeline_mode = #tpu.pipeline_mode<synchronous>, transform_indices = @transform_3, window_bounds = array<i64: 128, 512>}, {pipeline_mode = #tpu.pipeline_mode<synchronous>, transform_indices = @transform_4, window_bounds = array<i64: 1, 512>}, {pipeline_mode = #tpu.pipeline_mode<synchronous>, transform_indices = @transform_5, window_bounds = array<i64: 512, 128>}, {pipeline_mode = #tpu.pipeline_mode<synchronous>, transform_indices = @transform_6, window_bounds = array<i64: 1, 128>}, {pipeline_mode = #tpu.pipeline_mode<synchronous>, transform_indices = @transform_7, window_bounds = array<i64: 1, 128>}, {pipeline_mode = #tpu.pipeline_mode<synchronous>, transform_indices = @transform_8, window_bounds = array<i64: 1, 1>}, {transform_indices = @transform_9, window_bounds = array<i64: 512, 128>}, {transform_indices = @transform_10, window_bounds = array<i64: 512, 128>}]} {
    %get3A = arith.constant 0 : index
    %get3A_0 = arith.constant 0 : index
    %get3A_1 = vector.load %arg2[%get3A, %get3A_0] : memref<512x256xf32, #tpu.memory_space<vmem>>, vector<512x128xf32>
    %get3A_2 = arith.constant 0 : index
    %get3A_3 = arith.constant 0 : index
    %get3A_4 = vector.load %arg1[%get3A_2, %get3A_3] : memref<512x128xf32, #tpu.memory_space<vmem>>, vector<512x128xf32>
    %get3A_5 = arith.constant 0 : index
    %get3A_6 = arith.constant 0 : index
    %get3A_7 = vector.load %arg3[%get3A_5, %get3A_6] : memref<128x512xf32, #tpu.memory_space<vmem>>, vector<128x512xf32>
    %dot_general3A = arith.constant dense<0.000000e+00> : vector<512x512xf32>
    %dot_general3A_8 = tpu.matmul %get3A_4, %get3A_7, %dot_general3A {dimension_numbers = #tpu.dot_dimension_numbers<[1], [0], [0], [1], [0, 0, 1, 1], [], []>, transpose_lhs_hint = false} : vector<512x128xf32>, vector<128x512xf32>, vector<512x512xf32> -> vector<512x512xf32>
    %get3A_9 = arith.constant 0 : index
    %get3A_10 = arith.constant 0 : index
    %get3A_11 = vector.load %arg4[%get3A_9, %get3A_10] : memref<128x512xf32, #tpu.memory_space<vmem>>, vector<128x512xf32>
    %dot_general3A_12 = arith.constant dense<0.000000e+00> : vector<512x512xf32>
    %dot_general3A_13 = tpu.matmul %get3A_1, %get3A_11, %dot_general3A_12 {dimension_numbers = #tpu.dot_dimension_numbers<[1], [0], [0], [1], [0, 0, 1, 1], [], []>, transpose_lhs_hint = false} : vector<512x128xf32>, vector<128x512xf32>, vector<512x512xf32> -> vector<512x512xf32>
    %add3A = arith.addf %dot_general3A_8, %dot_general3A_13 : vector<512x512xf32>
    %get3A_14 = arith.constant 0 : index
    %get3A_15 = arith.constant 0 : index
    %get3A_16 = vector.load %arg5[%get3A_14, %get3A_15] : memref<1x512xf32, #tpu.memory_space<vmem>>, vector<1x512xf32>
    %add3A_17 = vector.broadcast %get3A_16 : vector<1x512xf32> to vector<512x512xf32>
    %add3A_18 = arith.addf %add3A, %add3A_17 : vector<512x512xf32>
    %max3A = arith.constant 0.000000e+00 : f32
    %max3A_19 = vector.broadcast %max3A : f32 to vector<512x512xf32>
    %max3A_20 = arith.maximumf %add3A_18, %max3A_19 : vector<512x512xf32>
    %get3A_21 = arith.constant 0 : index
    %get3A_22 = arith.constant 0 : index
    %get3A_23 = vector.load %arg6[%get3A_21, %get3A_22] : memref<512x128xf32, #tpu.memory_space<vmem>>, vector<512x128xf32>
    %dot_general3A_24 = arith.constant dense<0.000000e+00> : vector<512x128xf32>
    %dot_general3A_25 = tpu.matmul %max3A_20, %get3A_23, %dot_general3A_24 {dimension_numbers = #tpu.dot_dimension_numbers<[1], [0], [0], [1], [0, 0, 1, 1], [], []>, transpose_lhs_hint = false} : vector<512x512xf32>, vector<512x128xf32>, vector<512x128xf32> -> vector<512x128xf32>
    %get3A_26 = arith.constant 0 : index
    %get3A_27 = arith.constant 0 : index
    %get3A_28 = vector.load %arg7[%get3A_26, %get3A_27] : memref<1x128xf32, #tpu.memory_space<vmem>>, vector<1x128xf32>
    %add3A_29 = vector.broadcast %get3A_28 : vector<1x128xf32> to vector<512x128xf32>
    %add3A_30 = arith.addf %dot_general3A_25, %add3A_29 : vector<512x128xf32>
    %get3A_31 = arith.constant 0 : index
    %get3A_32 = arith.constant 0 : index
    %get3A_33 = vector.load %arg8[%get3A_31, %get3A_32] : memref<1x128xf32, #tpu.memory_space<vmem>>, vector<1x128xf32>
    %mul3A = vector.broadcast %get3A_33 : vector<1x128xf32> to vector<512x128xf32>
    %mul3A_34 = arith.mulf %add3A_30, %mul3A : vector<512x128xf32>
    %reduce_sum3A = arith.constant dense<0.000000e+00> : vector<512xf32>
    %reduce_sum3A_35 = vector.multi_reduction <add>, %mul3A_34, %reduce_sum3A [1] : vector<512x128xf32> to vector<512xf32>
    %broadcast_in_dim3A = vector.shape_cast %reduce_sum3A_35 : vector<512xf32> to vector<512x1xf32>
    %get3A_36 = arith.constant 0 : index
    %get3A_37 = arith.constant 0 : index
    %get3A_38 = vector.load %arg9[%get3A_36, %get3A_37] : memref<1x1xf32, #tpu.memory_space<vmem>>, vector<1x1xf32>
    %add3A_39 = vector.broadcast %get3A_38 : vector<1x1xf32> to vector<512x1xf32>
    %add3A_40 = arith.addf %broadcast_in_dim3A, %add3A_39 : vector<512x1xf32>
    %get3A_41 = arith.constant 0 : index
    %get3A_42 = arith.constant 128 : index
    %get3A_43 = vector.load %arg2[%get3A_41, %get3A_42] : memref<512x256xf32, #tpu.memory_space<vmem>>, vector<512x1xf32>
    %exp3A = math.exp %add3A_40 : vector<512x1xf32>
    %mul3A_44 = arith.mulf %get3A_43, %exp3A : vector<512x1xf32>
    %mul3A_45 = vector.broadcast %mul3A_44 : vector<512x1xf32> to vector<512x128xf32>
    %mul3A_46 = arith.mulf %add3A_30, %mul3A_45 : vector<512x128xf32>
    %swap3A = arith.constant 0 : index
    %swap3A_47 = arith.constant 0 : index
    %swap3A_48 = vector.load %arg10[%swap3A, %swap3A_47] : memref<512x128xf32, #tpu.memory_space<vmem>>, vector<512x128xf32>
    tpu.vector_store %arg10[%swap3A, %swap3A_47], %mul3A_46 {strides = array<i32>} : memref<512x128xf32, #tpu.memory_space<vmem>>, vector<512x128xf32>,
    %broadcast_in_dim3A_49 = vector.shape_cast %mul3A_44 : vector<512x1xf32> to vector<512x1xf32>
    %broadcast_in_dim3A_50 = vector.broadcast %broadcast_in_dim3A_49 : vector<512x1xf32> to vector<512x128xf32>
    %swap3A_51 = arith.constant 0 : index
    %swap3A_52 = arith.constant 0 : index
    %swap3A_53 = vector.load %arg11[%swap3A_51, %swap3A_52] : memref<512x128xf32, #tpu.memory_space<vmem>>, vector<512x128xf32>
    tpu.vector_store %arg11[%swap3A_51, %swap3A_52], %broadcast_in_dim3A_50 {strides = array<i32>} : memref<512x128xf32, #tpu.memory_space<vmem>>, vector<512x128xf32>,
    return
  }
  func.func @transform_0(%arg0: i32) -> (i32, i32) {
    %c0_i32 = arith.constant 0 : i32
    %c0_i32_0 = arith.constant 0 : i32
    return %arg0, %c0_i32 : i32, i32
  }
  func.func @transform_1(%arg0: i32) -> (i32, i32) {
    %c0_i32 = arith.constant 0 : i32
    %c0_i32_0 = arith.constant 0 : i32
    return %arg0, %c0_i32 : i32, i32
  }
  func.func @transform_2(%arg0: i32) -> (i32, i32) {
    %c0_i32 = arith.constant 0 : i32
    %c0_i32_0 = arith.constant 0 : i32
    %c0_i32_1 = arith.constant 0 : i32
    return %c0_i32, %c0_i32_0 : i32, i32
  }
  func.func @transform_3(%arg0: i32) -> (i32, i32) {
    %c0_i32 = arith.constant 0 : i32
    %c0_i32_0 = arith.constant 0 : i32
    %c0_i32_1 = arith.constant 0 : i32
    return %c0_i32, %c0_i32_0 : i32, i32
  }
  func.func @transform_4(%arg0: i32) -> (i32, i32) {
    %c0_i32 = arith.constant 0 : i32
    %c0_i32_0 = arith.constant 0 : i32
    %c0_i32_1 = arith.constant 0 : i32
    return %c0_i32, %c0_i32_0 : i32, i32
  }
  func.func @transform_5(%arg0: i32) -> (i32, i32) {
    %c0_i32 = arith.constant 0 : i32
    %c0_i32_0 = arith.constant 0 : i32
    %c0_i32_1 = arith.constant 0 : i32
    return %c0_i32, %c0_i32_0 : i32, i32
  }
  func.func @transform_6(%arg0: i32) -> (i32, i32) {
    %c0_i32 = arith.constant 0 : i32
    %c0_i32_0 = arith.constant 0 : i32
    %c0_i32_1 = arith.constant 0 : i32
    return %c0_i32, %c0_i32_0 : i32, i32
  }
  func.func @transform_7(%arg0: i32) -> (i32, i32) {
    %c0_i32 = arith.constant 0 : i32
    %c0_i32_0 = arith.constant 0 : i32
    %c0_i32_1 = arith.constant 0 : i32
    return %c0_i32, %c0_i32_0 : i32, i32
  }
  func.func @transform_8(%arg0: i32) -> (i32, i32) {
    %c0_i32 = arith.constant 0 : i32
    %c0_i32_0 = arith.constant 0 : i32
    %c0_i32_1 = arith.constant 0 : i32
    return %c0_i32, %c0_i32_0 : i32, i32
  }
  func.func @transform_9(%arg0: i32) -> (i32, i32) {
    %c0_i32 = arith.constant 0 : i32
    %c0_i32_0 = arith.constant 0 : i32
    return %arg0, %c0_i32 : i32, i32
  }
  func.func @transform_10(%arg0: i32) -> (i32, i32) {
    %c0_i32 = arith.constant 0 : i32
    %c0_i32_0 = arith.constant 0 : i32
    return %arg0, %c0_i32 : i32, i32
  }
}

module attributes {stable_mosaic.version = 14 : i64} {
  func.func @_final_body(%arg0: i32, %arg1: memref<400x128xf32, #tpu.memory_space<vmem>>, %arg2: memref<2x400x128xf32, #tpu.memory_space<vmem>>, %arg3: memref<400x128xf32, #tpu.memory_space<vmem>>) attributes {dimension_semantics = [#tpu.dimension_semantics<arbitrary>], iteration_bounds = array<i64: 25>, scalar_prefetch = 0 : i64, scratch_operands = 0 : i64, tpu.core_type = #tpu.core_type<tc>, window_params = [{transform_indices = @transform_0, window_bounds = array<i64: 400, 128>}, {transform_indices = @transform_1, window_bounds = array<i64: 2, 400, 128>}, {transform_indices = @transform_2, window_bounds = array<i64: 400, 128>}]} {
    %get3A = arith.constant 0 : index
    %get3A_0 = arith.constant 0 : index
    %get3A_1 = arith.constant 0 : index
    %get3A_2 = vector.load %arg2[%get3A, %get3A_0, %get3A_1] : memref<2x400x128xf32, #tpu.memory_space<vmem>>, vector<1x400x128xf32>
    %get3A_3 = vector.shape_cast %get3A_2 : vector<1x400x128xf32> to vector<400x128xf32>
    %get3A_4 = arith.constant 1 : index
    %get3A_5 = arith.constant 0 : index
    %get3A_6 = arith.constant 0 : index
    %get3A_7 = vector.load %arg2[%get3A_4, %get3A_5, %get3A_6] : memref<2x400x128xf32, #tpu.memory_space<vmem>>, vector<1x400x1xf32>
    %get3A_8 = vector.shape_cast %get3A_7 : vector<1x400x1xf32> to vector<400x1xf32>
    %get3A_9 = arith.constant 0 : index
    %get3A_10 = arith.constant 0 : index
    %get3A_11 = vector.load %arg1[%get3A_9, %get3A_10] : memref<400x128xf32, #tpu.memory_space<vmem>>, vector<400x128xf32>
    %add3A = arith.constant 9.99999982E-14 : f32
    %add3A_12 = vector.broadcast %add3A : f32 to vector<400x1xf32>
    %add3A_13 = arith.addf %get3A_8, %add3A_12 : vector<400x1xf32>
    %div3A = vector.broadcast %add3A_13 : vector<400x1xf32> to vector<400x128xf32>
    %div3A_14 = arith.divf %get3A_3, %div3A : vector<400x128xf32>
    %max3A = arith.constant 0.000000e+00 : f32
    %max3A_15 = vector.broadcast %max3A : f32 to vector<400x128xf32>
    %max3A_16 = arith.maximumf %div3A_14, %max3A_15 : vector<400x128xf32>
    %add3A_17 = arith.addf %get3A_11, %max3A_16 : vector<400x128xf32>
    %swap3A = arith.constant 0 : index
    %swap3A_18 = arith.constant 0 : index
    %swap3A_19 = vector.load %arg3[%swap3A, %swap3A_18] : memref<400x128xf32, #tpu.memory_space<vmem>>, vector<400x128xf32>
    tpu.vector_store %arg3[%swap3A, %swap3A_18], %add3A_17 {strides = array<i32>} : memref<400x128xf32, #tpu.memory_space<vmem>>, vector<400x128xf32>,
    return
  }
  func.func @transform_0(%arg0: i32) -> (i32, i32) {
    %c0_i32 = arith.constant 0 : i32
    %c0_i32_0 = arith.constant 0 : i32
    return %arg0, %c0_i32 : i32, i32
  }
  func.func @transform_1(%arg0: i32) -> (i32, i32, i32) {
    %c0_i32 = arith.constant 0 : i32
    %c0_i32_0 = arith.constant 0 : i32
    %c0_i32_1 = arith.constant 0 : i32
    return %c0_i32, %arg0, %c0_i32_0 : i32, i32, i32
  }
  func.func @transform_2(%arg0: i32) -> (i32, i32) {
    %c0_i32 = arith.constant 0 : i32
    %c0_i32_0 = arith.constant 0 : i32
    return %arg0, %c0_i32 : i32, i32
  }
}

</mosaic_0001>

<sc_bundles>
// kernel: kernel.6.cloned.1.call-start
scs
__scs_entry_jumppad:
0x0: {  	(pc) =	sbr.rel $0x88, $3  }
0x1: {  	(tag) =	ssettag $0x0;
	lr =	simm.s32 $0x1  }
0x2: {  	[smem:$0x3F97] =	sst lr;
	_ =	strace $0xD0000000  }
0x3: {  	_ = 	snop  }
0x4: {  	_ = 	snop  }
0x5: {  	_ = 	snop  }
0x6: {  	_ = 	snop  }
0x7: {  	_ = 	snop  }
__scs_overlays_trampoline_lowered:
0x8: {  	[smem:$0x3FA6] =	sst s0  }
0x9: {  	[smem:$0x3FA7] =	sst s1  }
0xa: {  	[smem:$0x3FA8] =	sst s2  }
0xb: {  	[smem:$0x3FA9] =	sst s3  }
0xc: {  	[smem:$0x3FAA] =	sst s4  }
0xd: {  	[smem:$0x3FAB] =	sst s5  }
0xe: {  	[smem:$0x3FAC] =	sst s6  }
0xf: {  	[smem:$0x3FAD] =	sst s7  }
0x10: {  	[smem:$0x3FAE] =	sst s8  }
0x11: {  	[smem:$0x3FAF] =	sst s9;
	s0 =	simm.s32 @!p0 $0x0  }
0x12: {  	s1 =	sld [smem:$0x3F95];
	s0 =	simm.s32 @p0 $0x1  }
0x13: {  	[smem:$0x3FB0] =	sst s0;
	s0 =	simm.s32 @!p1 $0x0  }
0x14: {  	s2 =	sld [smem:$0x3F94];
	s0 =	simm.s32 @p1 $0x1  }
0x15: {  	[smem:$0x3FB1] =	sst s0;
	s0 =	simm.s32 @!p2 $0x0  }
0x16: {  	s3 =	sld [smem:$0x3FDB];
	s0 =	simm.s32 @p2 $0x1  }
0x17: {  	s4 =	simm.s32 $0x1BF5;
	[smem:$0x3FB3] =	sst s0  }
0x18: {  	s0 =	sld [smem:$0x3F96];
	_ =	swait.ge [sflag:s4], $0x0  }
0x19: {  	s7 =	sld [smem:$0x3F97]  }
0x1a: {  	s8 =	sadd.s32 $0xFFFFE003, lr  }
0x1b: {  	s9 =	sadd.s32 $0xFFFFFEF7, lr;
	s5 =	simm.s32 $0xFFFFFFFF;
	p2 =	slt.u32 s8, $0xFFFFF086  }
0x1c: {  	p1 =	slt.u32 s9, $0xF7A;
	s5 =	simm.s32 @!p2 $0x0  }
0x1d: {  	s5 =	simm.s32 @p1 $0x1;
	p0 =	seq.s32 s7, s2  }
0x1e: {  	s7 =	smul.u32 @!p0 $0xF7A, s2;
	p2 =	seq.s32 @!p0 s5, $0x0  }
0x1f: {  	s9 =	smul.u32 $0xF7A, s1;
	s8 =	simm.s32 @!p0 $0x1BF5;
	p2 =	por !p2, p0  }
0x20: {  	[sflag:s8] =	ssyncset.s32 @!p0 $0xFFFFF086;
	s6 =	sadd.s32 @!p0 s3, s7;
	s7 =	simm.s32 @!p0 $0x108  }
0x21: {  	s3 =	sadd.s32 s3, s9;
	s6 =	sadd.s32 @!p0 $0x88, s6;
	s7 =	simm.s32 @p2 $0x1082  }
0x22: {  	[simem:s7], [sflag:s8] =	dma.local @!p0 [hbm:s6], $0xF7A  }
0x23: {  	s9 =	sor.u32 $0xD0000000, s2;
	s6 =	simm.s32 $0x108;
	_ =	swait.ge @!p0 [sflag:s8], $0x0  }
0x24: {  	s3 =	sadd.s32 $0x88, s3;
	s6 =	simm.s32 @!p1 $0x1082;
	[sflag:s4] =	ssyncset.s32 $0xFFFFF086  }
0x25: {  	[simem:s6], [sflag:s4] =	dma.local [hbm:s3], $0xF7A  }
0x26: {  	[smem:$0x3F97] =	sst s1;
	(tag) =	ssettag s2;
	_ =	strace s9  }
0x27: {  	s1 =	sld [smem:$0x3FA7]  }
0x28: {  	s2 =	sld [smem:$0x3FA8]  }
0x29: {  	s4 =	sld [smem:$0x3FAA]  }
0x2a: {  	p0 =	seq.s32 s5, $0x0;
	s5 =	sld [smem:$0x3FAB]  }
0x2b: {  	s6 =	sld [smem:$0x3FAC]  }
0x2c: {  	s7 =	sld [smem:$0x3FAD]  }
0x2d: {  	s3 =	simm.s32 $0x108;
	s8 =	sld [smem:$0x3FAE]  }
0x2e: {  	s3 =	simm.s32 @!p0 $0x1082;
	s9 =	sld [smem:$0x3FAF]  }
0x2f: {  	lr =	sadd.s32 s0, s3;
	s0 =	sld [smem:$0x3FA6]  }
0x30: {  	s3 =	sld [smem:$0x3FA9]  }
0x31: {  	[smem:$0x3FB2] =	sst s10  }
0x32: {  	s10 =	sld [smem:$0x3FB0];
	_ =	sdelay $0x3  }
0x33: {  	p0 =	seq.s32 s10, $0x1;
	s10 =	sld [smem:$0x3FB2];
	_ =	sdelay $0x3  }
0x34: {  	[smem:$0x3FB2] =	sst s10  }
0x35: {  	s10 =	sld [smem:$0x3FB1];
	_ =	sdelay $0x3  }
0x36: {  	p1 =	seq.s32 s10, $0x1;
	s10 =	sld [smem:$0x3FB2];
	_ =	sdelay $0x3  }
0x37: {  	[smem:$0x3FB2] =	sst s10  }
0x38: {  	s10 =	sld [smem:$0x3FB3]  }
0x39: {  	_ = 	snop;
	(pc) =	sbr.ind lr, $3  }
0x3a: {  	_ = 	snop  }
0x3b: {  	_ = 	snop  }
0x3c: {  	p2 =	seq.s32 s10, $0x1;
	s10 =	sld [smem:$0x3FB2]  }
0x3d: {  	_ =	shalt  }
0x3e: {  	_ =	shalt  }
0x3f: {  	_ =	shalt  }
0x40: {  	_ =	shalt  }
0x41: {  	_ =	shalt  }
0x42: {  	_ =	shalt  }
0x43: {  	_ =	shalt  }
0x44: {  	_ =	shalt  }
0x45: {  	_ =	shalt  }
0x46: {  	_ =	shalt  }
0x47: {  	_ =	shalt  }
0x48: {  	_ =	shalt  }
0x49: {  	_ =	shalt  }
0x4a: {  	_ =	shalt  }
0x4b: {  	_ =	shalt  }
0x4c: {  	_ =	shalt  }
0x4d: {  	_ =	shalt  }
0x4e: {  	_ =	shalt  }
0x4f: {  	_ =	shalt  }
0x50: {  	_ =	shalt  }
0x51: {  	_ =	shalt  }
0x52: {  	_ =	shalt  }
0x53: {  	_ =	shalt  }
0x54: {  	_ =	shalt  }
0x55: {  	_ =	shalt  }
0x56: {  	_ =	shalt  }
0x57: {  	_ =	shalt  }
0x58: {  	_ =	shalt  }
0x59: {  	_ =	shalt  }
0x5a: {  	_ =	shalt  }
0x5b: {  	_ =	shalt  }
0x5c: {  	_ =	shalt  }
0x5d: {  	_ =	shalt  }
0x5e: {  	_ =	shalt  }
0x5f: {  	_ =	shalt  }
0x60: {  	_ =	shalt  }
0x61: {  	_ =	shalt  }
0x62: {  	_ =	shalt  }
0x63: {  	_ =	shalt  }
0x64: {  	_ =	shalt  }
0x65: {  	_ =	shalt  }
0x66: {  	_ =	shalt  }
0x67: {  	_ =	shalt  }
0x68: {  	_ =	shalt  }
0x69: {  	_ =	shalt  }
0x6a: {  	_ =	shalt  }
0x6b: {  	_ =	shalt  }
0x6c: {  	_ =	shalt  }
0x6d: {  	_ =	shalt  }
0x6e: {  	_ =	shalt  }
0x6f: {  	_ =	shalt  }
0x70: {  	_ =	shalt  }
0x71: {  	_ =	shalt  }
0x72: {  	_ =	shalt  }
0x73: {  	_ =	shalt  }
0x74: {  	_ =	shalt  }
0x75: {  	_ =	shalt  }
0x76: {  	_ =	shalt  }
0x77: {  	_ =	shalt  }
0x78: {  	_ =	shalt  }
0x79: {  	_ =	shalt  }
0x7a: {  	_ =	shalt  }
0x7b: {  	_ =	shalt  }
0x7c: {  	_ =	shalt  }
0x7d: {  	_ =	shalt  }
0x7e: {  	_ =	shalt  }
0x7f: {  	_ =	shalt  }
0x80: {  	_ =	shalt  }
0x81: {  	_ =	shalt  }
0x82: {  	_ =	shalt  }
0x83: {  	_ =	shalt  }
0x84: {  	_ =	shalt  }
0x85: {  	_ =	shalt  }
0x86: {  	_ =	shalt  }
0x87: {  	_ =	shalt  }
.Lfunc_end0:
.L_simem_size_0:
called_computation_lowered:
.L_overlay_start_0:
0x88: {  	s2 =	sld [smem:$0x3FD9]  }
0x89: {  	s3 =	sld [smem:$0x3FFE];
	_ =	sdelay $0x1  }
0x8a: {  	s1 =	srdreg.scid  }
0x8b: {  	s0 =	sand.u32 $0x1, s1  }
0x8c: {  	s17 =	sshll.u32 s0, $0xA;
	s2 =	sadd.s32 s3, s2  }
0x8d: {  	s2 =	sadd.s32 s2, s17  }
0x8e: {  	[smem:$0x3FBE] =	sst s2  }
0x8f: {  	_ = 	snop  }
0x90: {  	s2 =	sld [smem:$0x3FD0];
	(tm) =	ssettm $0x1  }
0x91: {  	s18 =	sld [smem:$0x3FFB];
	_ =	sdelay $0x3  }
0x92: {  	_ =	strace s18  }
0x93: {  	s3 =	sld [smem:$0x3FFC];
	_ =	sdelay $0x3  }
0x94: {  	_ =	strace s3  }
0x95: {  	s3 =	sld [smem:$0x3FFD];
	_ =	sdelay $0x3  }
0x96: {  	_ =	strace s3  }
0x97: {  	_ =	strace $0x8FFFFFFF  }
0x98: {  	s19 =	sld [smem:$0x3FDB];
	_ =	sdelay $0x1  }
0x99: {  	s4 =	simm.s32 $_scs_section_size  }
0x9a: {  	s5 =	simm.s32 $_size__tile_overlayer_lowered;
	s6 =	simm.s32 $_tile_overlayer_lowered  }
0x9b: {  	s22 =	simm.s32 $0x1BFF;
	s21 =	sshll.u32 s6, $0x1;
	s3 =	sadd.s32 s4, s19  }
0x9c: {  	s7 =	simm.s32 $0x0;
	s20 =	sshll.u32 s5, $0x1;
	s5 =	sadd.s32 s21, s3  }
0x9d: {  	[timem:s7], [sflag:s22] =	dma.local [hbm:s5], s20  }
0x9e: {  	_ =	swait.ge [sflag:s22], s20  }
0x9f: {  	s4 =	ssub.s32 $0x0, s20;
	[sflag:s22] =	ssyncset.done $0x0  }
0xa0: {  	[sflag:s22] =	ssyncadd.s32 s4;
	_ =	sdelay $0x1  }
0xa1: {  	s23 =	simm.s32 $0x1B8B  }
0xa2: {  	_ =	swait.ge [sflag:s23], $0x1  }
0xa3: {  	[sflag:s23] =	ssyncset.done $0x0  }
0xa4: {  	s25 =	simm.s32 $0x1B8E;
	s24 =	sld [smem:$0x3FFE];
	[sflag:s23] =	ssyncadd.s32 $0xFFFFFFFF  }
0xa5: {  	s26 =	simm.s32 $execute0_lowered;
	[smem:$0x3FD2] =	sst s25  }
0xa6: {  	s5 =	sshll.u32 s26, $0x1;
	_ =	strace $0x80000046;
	[dreg:$0x1] =	wrdreg $0xFFFFFFFF  }
0xa7: {  	s28 =	simm.s32 $_size_execute0_lowered;
	s3 =	sadd.s32 s3, s5;
	[dreg:$0x0] =	wrdreg $0x0  }
0xa8: {  	s5 =	sshll.u32 s28, $0x1;
	[dreg:$0x2] =	wrdreg s3  }
0xa9: {  	[dreg:$0x3] =	wrdreg s5  }
0xaa: {  	[dreg:$0x4] =	wrdreg $0xC0  }
0xab: {  	_ =	task [dreg:s7], $0x5FFFF  }
0xac: {  	[dreg:$0x1] =	wrdreg $0xFFFFFFFF  }
0xad: {  	[dreg:$0x0] =	wrdreg $0x60  }
0xae: {  	[dreg:$0x2] =	wrdreg s2  }
0xaf: {  	[dreg:$0x3] =	wrdreg s24  }
0xb0: {  	[dreg:$0x4] =	wrdreg $0x9  }
0xb1: {  	_ =	task.clear_ibuf [dreg:s7], $0x5FFFF;
	_ =	strace $0x90000046  }
0xb2: {  	s29 =	simm.s32 $0x9;
	_ =	strace $0x80000048  }
0xb3: {  	_ =	swait.ge [sflag:s29], $0x1  }
0xb4: {  	[sflag:s29] =	ssyncadd.s32 $0xFFFFFFFF  }
0xb5: {  	_ =	strace $0x90000048  }
0xb6: {  	_ =	sfence  }
0xb7: {  	s30 =	sld [smem:$0x0];
	_ =	sdelay $0x2  }
0xb8: {  	s31 =	sshll.u32 s1, $0xD;
	s1 =	sshrl.u32 s1, $0x2  }
0xb9: {  	s3 =	sand.u32 $0x4000, s31;
	s1 =	sadd.s32 s1, s30  }
0xba: {  	s0 =	sor.u32 s3, s0;
	s1 =	sshll.u32 s1, $0x11  }
0xbb: {  	s0 =	sor.u32 s1, s0  }
0xbc: {  	s0 =	sadd.s32 $0x8F2B, s0  }
0xbd: {  	[sflag:s0] =	ssyncadd.remote.s32 $0x1  }
0xbe: {  	_ =	sfence.sel $0xFFFF  }
0xbf: {  	[dreg:$0x0] =	wrdreg $0xFFFFFFFF;
	(pc) =	sbr.abs _section_cstart, $3  }
0xc0: {  	[dreg:$0x1] =	wrdreg $0xFFFFFFFF  }
0xc1: {  	_ =	task.clear_ibuf [dreg:s7], $0x2FFFF;
	_ =	strace $0x9FFFFFFF  }
0xc2: {  	(tm) =	ssettm $0x7FFFFFFF  }
0xc3: {  	_ =	shalt  }
tec
execute0_lowered:
.L_overlay_start_1:
0x0: {  	(tag) =	ssettag $0x1  }
0x1: {  	s0 =	srdreg.scid;
	s5 =	rddreg [dreg:$0x0]  }
0x2: {  	s3 =	stileid.u32;
	s6 =	rddreg [dreg:$0x1];
	s2 =	simm.s32 $0x0  }
0x3: {  	s22 =	simm.s32 $0x9800;
	s23 =	simm.s32 $0xA000;
	s24 =	simm.s32 $0xA800  }
0x4: {  	s25 =	simm.s32 $0xB000;
	s12 =	simm.s32 $0xC800;
	[smem:$0x7FF] =	sst s2  }
0x5: {  	s13 =	simm.s32 $0xD000;
	_ =	strace $0x80000047;
	[dreg:$0x3] =	wrdreg s22  }
0x6: {  	s15 =	simm.s32 $0xD800;
	s16 =	simm.s32 $0xE000;
	[dreg:$0x4] =	wrdreg s23  }
0x7: {  	s18 =	simm.s32 $0xE800;
	s19 =	simm.s32 $0xF000;
	[dreg:$0x5] =	wrdreg s24  }
0x8: {  	s20 =	simm.s32 $0xF800;
	s28 =	simm.s32 $0x1C800;
	[dreg:$0x6] =	wrdreg s25  }
0x9: {  	s29 =	simm.s32 $0x1;
	s30 =	simm.s32 $0x2;
	[dreg:$0x9] =	wrdreg s12  }
0xa: {  	s31 =	simm.s32 $0x0;
	s0 =	sand.u32 $0x1, s0;
	[dreg:$0xa] =	wrdreg s13  }
0xb: {  	s1 =	sshll.u32 s3, $0x1;
	s7 =	smul.u32 $0x50000, s3;
	[dreg:$0xb] =	wrdreg s15  }
0xc: {  	s9 =	smul.u32 $0xA0000, s3;
	s3 =	sadd.s32 $0x2800, s6;
	[dreg:$0xc] =	wrdreg s16  }
0xd: {  	s4 =	sadd.s32 $0x29A00, s6;
	s1 =	sor.u32 s0, s1;
	[dreg:$0xd] =	wrdreg s18  }
0xe: {  	s21 =	ssub.s32 $0x2, s0;
	s14 =	smul.u32 $0x50000, s0;
	[dreg:$0xe] =	wrdreg s19  }
0xf: {  	[dreg:$0xf] =	wrdreg s20;
	s12 =	simm.s32 $0x80;
	s22 =	simm.s32 $0x10800  }
0x10: {  	s13 =	simm.s32 $0x5000;
	s23 =	simm.s32 $0x15800;
	s24 =	simm.s32 $0x16000  }
0x11: {  	s15 =	simm.s32 $0x11000;
	s25 =	simm.s32 $0x16800;
	s16 =	simm.s32 $0x15000  }
0x12: {  	s18 =	simm.s32 $0x18000;
	s19 =	simm.s32 $0x18800;
	[dreg:$0x11] =	wrdreg s22  }
0x13: {  	s20 =	simm.s32 $0x19000;
	s1 =	smul.u32 $0x2800, s1;
	[dreg:$0x12] =	wrdreg s23  }
0x14: {  	s10 =	sadd.s32 s7, s6;
	s9 =	sadd.s32 s9, s6;
	[dreg:$0x13] =	wrdreg s24  }
0x15: {  	s11 =	sshrl.u32 s21, $0x1;
	s7 =	smul.u32 $0x28000, s0;
	[dreg:$0x14] =	wrdreg s25  }
0x16: {  	s22 =	simm.s32 $0x1A000;
	s23 =	simm.s32 $0x1A800;
	s24 =	simm.s32 $0x1B000  }
0x17: {  	s25 =	simm.s32 $0x1B800;
	s11 =	ssub.s32 s21, s11;
	s17 =	sadd.s32 s14, s9  }
0x18: {  	s21 =	simm.s32 $0x10000;
	s14 =	simm.s32 $0x9000;
	s1 =	sshrl.u32 s1, $0x3  }
0x19: {  	s11 =	smax.u32 s11, $0x1;
	[dreg:$0x10] =	wrdreg s21;
	s21 =	simm.s32 $0x19800  }
0x1a: {  	s8 =	sadd.s32 s1, s6;
	s1 =	sadd.s32 s5, s1;
	[dreg:$0x18] =	wrdreg s11  }
0x1b: {  	s6 =	simm.s32 $0xB800;
	s5 =	sadd.s32 s7, s10;
	[dreg:$0x16] =	wrdreg s1  }
0x1c: {  	s10 =	simm.s32 $0x3;
	s26 =	sadd.s32 $0x77E00, s8;
	[dreg:$0x7] =	wrdreg s6  }
0x1d: {  	v2 =	vlaneseq.u32;
	s8 =	simm.s32 $0xC000;
	s0 =	sadd.s32 $0x82600, s5;
	[dreg:$0x17] =	wrdreg s26  }
0x1e: {  	vm0 =	vmmov $0xffff;
	v1 =	vshrl.u32 v2, $0x3;
	s1 =	sadd.s32 $0x582E00, s17;
	[dreg:$0x8] =	wrdreg s8;
	s26 =	simm.s32 $0x17000  }
0x1f: {  	v0 =	vand.u32 $0x7, v2;
	v2 =	vor.u32 $0x8, v2;
	v1 =	vmul.u32 $0x8, v1;
	s17 =	simm.s32 $0x17800;
	[dreg:$0x15] =	wrdreg s26;
	s26 =	simm.s32 $0x1C000  }
.LBB2_1:
0x20: {  	s5 =	rddreg [dreg:$0x16]  }
0x21: {  	[tilespmem:s2], [sflag:$0x3] =	stream.linear.gather [hbm4b:s5+s2], $0x2800, $0x38;
	[tilespmem:$0x1D000] =	vst v63  }
0x22: {  	_ =	swait.ge [sflag:s10], $0x2800  }
0x23: {  	[sflag:s10] =	ssyncset.done $0x0  }
0x24: {  	s6 =	simm.s32 $0x2800;
	s11 =	rddreg [dreg:$0x17];
	[sflag:s10] =	ssyncadd.s32 $0xFFFFD800  }
0x25: {  	[tilespmem:s6], [sflag:$0x3] =	stream.linear.gather [hbm4b:s11+s2], $0x2800, $0x38;
	[tilespmem:$0x1D000] =	vst v63  }
0x26: {  	_ =	swait.ge [sflag:s10], $0x2800  }
0x27: {  	s9 =	smov.u32 s1;
	[sflag:s10] =	ssyncset.done $0x0  }
0x28: {  	s8 =	smov.u32 s0;
	s11 =	simm.s32 $0x0;
	[sflag:s10] =	ssyncadd.s32 $0xFFFFD800  }
.LBB2_2:
0x29: {  	s5 =	sshra.s32 s11, $0x2  }
0x2a: {  	[tilespmem:s13], [sflag:$0x1] =	stream.indirect.gather [hbm4b:s3+s12], $0x80, s5, s12, $0xb8;
	[tilespmem:$0x1D000] =	vst v63  }
0x2b: {  	v3 =	vld [tilespmem:s5+$0x2800];
	_ =	sdelay $0x4  }
0x2c: {  	v4 =	vshll.u32 v3, $0x1  }
0x2d: {  	v3 =	vand.u32 $0x7, v3;
	v4 =	vand.u32 $0xFFFFFFF0, v4  }
0x2e: {  	v3 =	vor.u32 v3, v4  }
0x2f: {  	v4 =	vperm.xlane v3, v0;
	_ =	sdelay $0x1  }
0x30: {  	v3 =	vperm.xlane v3, v2;
	v4 =	vadd.s32 v1, v4;
	_ =	sdelay $0x1  }
0x31: {  	v3 =	vadd.s32 v1, v3;
	_ =	sdelay $0x2  }
0x32: {  	[tilespmem:s14], [sflag:$0x1] =	stream.indirect_vreg.gather [hbm4b:s4+s2], $0x80, v4, vm0, $0xb8;
	[tilespmem:$0x1D000] =	vst v63  }
0x33: {  	s6 =	rddreg [dreg:$0x3]  }
0x34: {  	[tilespmem:s6], [sflag:$0x1] =	stream.indirect_vreg.gather [hbm4b:s4+s2], $0x80, v3, vm0, $0xb8;
	[tilespmem:$0x1D000] =	vst v63  }
0x35: {  	v3 =	vld [tilespmem:s5+$0x2810];
	_ =	sdelay $0x4  }
0x36: {  	v49 =	vshll.u32 v3, $0x1  }
0x37: {  	v3 =	vand.u32 $0x7, v3;
	v4 =	vand.u32 $0xFFFFFFF0, v49  }
0x38: {  	v3 =	vor.u32 v3, v4  }
0x39: {  	v4 =	vperm.xlane v3, v0;
	_ =	sdelay $0x1  }
0x3a: {  	v3 =	vperm.xlane v3, v2;
	v4 =	vadd.s32 v1, v4;
	_ =	sdelay $0x1  }
0x3b: {  	v3 =	vadd.s32 v1, v3;
	_ =	sdelay $0x1  }
0x3c: {  	s6 =	rddreg [dreg:$0x4]  }
0x3d: {  	[tilespmem:s6], [sflag:$0x1] =	stream.indirect_vreg.gather [hbm4b:s4+s2], $0x80, v4, vm0, $0xb8;
	[tilespmem:$0x1D000] =	vst v63  }
0x3e: {  	s7 =	rddreg [dreg:$0x5]  }
0x3f: {  	[tilespmem:s7], [sflag:$0x1] =	stream.indirect_vreg.gather [hbm4b:s4+s2], $0x80, v3, vm0, $0xb8;
	[tilespmem:$0x1D000] =	vst v63  }
0x40: {  	v3 =	vld [tilespmem:s5+$0x2820];
	_ =	sdelay $0x4  }
0x41: {  	v50 =	vshll.u32 v3, $0x1  }
0x42: {  	v3 =	vand.u32 $0x7, v3;
	v4 =	vand.u32 $0xFFFFFFF0, v50  }
0x43: {  	v3 =	vor.u32 v3, v4  }
0x44: {  	v4 =	vperm.xlane v3, v0;
	_ =	sdelay $0x1  }
0x45: {  	v3 =	vperm.xlane v3, v2;
	v4 =	vadd.s32 v1, v4;
	_ =	sdelay $0x1  }
0x46: {  	v3 =	vadd.s32 v1, v3;
	_ =	sdelay $0x1  }
0x47: {  	s6 =	rddreg [dreg:$0x6]  }
0x48: {  	[tilespmem:s6], [sflag:$0x1] =	stream.indirect_vreg.gather [hbm4b:s4+s2], $0x80, v4, vm0, $0xb8;
	[tilespmem:$0x1D000] =	vst v63  }
0x49: {  	s7 =	rddreg [dreg:$0x7]  }
0x4a: {  	[tilespmem:s7], [sflag:$0x1] =	stream.indirect_vreg.gather [hbm4b:s4+s2], $0x80, v3, vm0, $0xb8;
	[tilespmem:$0x1D000] =	vst v63  }
0x4b: {  	v3 =	vld [tilespmem:s5+$0x2830];
	_ =	sdelay $0x4  }
0x4c: {  	v51 =	vshll.u32 v3, $0x1  }
0x4d: {  	v3 =	vand.u32 $0x7, v3;
	v4 =	vand.u32 $0xFFFFFFF0, v51  }
0x4e: {  	v3 =	vor.u32 v3, v4  }
0x4f: {  	v4 =	vperm.xlane v3, v0;
	_ =	sdelay $0x1  }
0x50: {  	v3 =	vperm.xlane v3, v2;
	v4 =	vadd.s32 v1, v4;
	_ =	sdelay $0x1  }
0x51: {  	v3 =	vadd.s32 v1, v3;
	_ =	sdelay $0x1  }
0x52: {  	s6 =	rddreg [dreg:$0x8]  }
0x53: {  	[tilespmem:s6], [sflag:$0x1] =	stream.indirect_vreg.gather [hbm4b:s4+s2], $0x80, v4, vm0, $0xb8;
	[tilespmem:$0x1D000] =	vst v63  }
0x54: {  	s7 =	rddreg [dreg:$0x9]  }
0x55: {  	[tilespmem:s7], [sflag:$0x1] =	stream.indirect_vreg.gather [hbm4b:s4+s2], $0x80, v3, vm0, $0xb8;
	[tilespmem:$0x1D000] =	vst v63  }
0x56: {  	v3 =	vld [tilespmem:s5+$0x2840];
	_ =	sdelay $0x4  }
0x57: {  	v52 =	vshll.u32 v3, $0x1  }
0x58: {  	v3 =	vand.u32 $0x7, v3;
	v4 =	vand.u32 $0xFFFFFFF0, v52  }
0x59: {  	v3 =	vor.u32 v3, v4  }
0x5a: {  	v4 =	vperm.xlane v3, v0;
	_ =	sdelay $0x1  }
0x5b: {  	v3 =	vperm.xlane v3, v2;
	v4 =	vadd.s32 v1, v4;
	_ =	sdelay $0x1  }
0x5c: {  	v3 =	vadd.s32 v1, v3;
	_ =	sdelay $0x1  }
0x5d: {  	s6 =	rddreg [dreg:$0xa]  }
0x5e: {  	[tilespmem:s6], [sflag:$0x1] =	stream.indirect_vreg.gather [hbm4b:s4+s2], $0x80, v4, vm0, $0xb8;
	[tilespmem:$0x1D000] =	vst v63  }
0x5f: {  	s7 =	rddreg [dreg:$0xb]  }
0x60: {  	[tilespmem:s7], [sflag:$0x1] =	stream.indirect_vreg.gather [hbm4b:s4+s2], $0x80, v3, vm0, $0xb8;
	[tilespmem:$0x1D000] =	vst v63  }
0x61: {  	v3 =	vld [tilespmem:s5+$0x2850];
	_ =	sdelay $0x4  }
0x62: {  	v53 =	vshll.u32 v3, $0x1  }
0x63: {  	v3 =	vand.u32 $0x7, v3;
	v4 =	vand.u32 $0xFFFFFFF0, v53  }
0x64: {  	v3 =	vor.u32 v3, v4  }
0x65: {  	v4 =	vperm.xlane v3, v0;
	_ =	sdelay $0x1  }
0x66: {  	v3 =	vperm.xlane v3, v2;
	v4 =	vadd.s32 v1, v4;
	_ =	sdelay $0x1  }
0x67: {  	v3 =	vadd.s32 v1, v3;
	_ =	sdelay $0x1  }
0x68: {  	s6 =	rddreg [dreg:$0xc]  }
0x69: {  	[tilespmem:s6], [sflag:$0x1] =	stream.indirect_vreg.gather [hbm4b:s4+s2], $0x80, v4, vm0, $0xb8;
	[tilespmem:$0x1D000] =	vst v63  }
0x6a: {  	s7 =	rddreg [dreg:$0xd]  }
0x6b: {  	[tilespmem:s7], [sflag:$0x1] =	stream.indirect_vreg.gather [hbm4b:s4+s2], $0x80, v3, vm0, $0xb8;
	[tilespmem:$0x1D000] =	vst v63  }
0x6c: {  	v3 =	vld [tilespmem:s5+$0x2860];
	_ =	sdelay $0x4  }
0x6d: {  	v54 =	vshll.u32 v3, $0x1  }
0x6e: {  	v3 =	vand.u32 $0x7, v3;
	v4 =	vand.u32 $0xFFFFFFF0, v54  }
0x6f: {  	v3 =	vor.u32 v3, v4  }
0x70: {  	v4 =	vperm.xlane v3, v0;
	_ =	sdelay $0x1  }
0x71: {  	v3 =	vperm.xlane v3, v2;
	v4 =	vadd.s32 v1, v4;
	_ =	sdelay $0x1  }
0x72: {  	v3 =	vadd.s32 v1, v3;
	_ =	sdelay $0x1  }
0x73: {  	s6 =	rddreg [dreg:$0xe]  }
0x74: {  	[tilespmem:s6], [sflag:$0x1] =	stream.indirect_vreg.gather [hbm4b:s4+s2], $0x80, v4, vm0, $0xb8;
	[tilespmem:$0x1D000] =	vst v63  }
0x75: {  	s7 =	rddreg [dreg:$0xf]  }
0x76: {  	[tilespmem:s7], [sflag:$0x1] =	stream.indirect_vreg.gather [hbm4b:s4+s2], $0x80, v3, vm0, $0xb8;
	[tilespmem:$0x1D000] =	vst v63  }
0x77: {  	v3 =	vld [tilespmem:s5+$0x2870];
	_ =	sdelay $0x4  }
0x78: {  	v55 =	vshll.u32 v3, $0x1  }
0x79: {  	v3 =	vand.u32 $0x7, v3;
	v4 =	vand.u32 $0xFFFFFFF0, v55  }
0x7a: {  	v3 =	vor.u32 v3, v4  }
0x7b: {  	v4 =	vperm.xlane v3, v0;
	_ =	sdelay $0x1  }
0x7c: {  	v3 =	vperm.xlane v3, v2;
	v4 =	vadd.s32 v1, v4;
	_ =	sdelay $0x1  }
0x7d: {  	v3 =	vadd.s32 v1, v3;
	_ =	sdelay $0x1  }
0x7e: {  	s6 =	rddreg [dreg:$0x10]  }
0x7f: {  	[tilespmem:s6], [sflag:$0x1] =	stream.indirect_vreg.gather [hbm4b:s4+s2], $0x80, v4, vm0, $0xb8;
	[tilespmem:$0x1D000] =	vst v63  }
0x80: {  	s7 =	rddreg [dreg:$0x11]  }
0x81: {  	[tilespmem:s7], [sflag:$0x1] =	stream.indirect_vreg.gather [hbm4b:s4+s2], $0x80, v3, vm0, $0xb8;
	[tilespmem:$0x1D000] =	vst v63  }
0x82: {  	s7 =	sadd.s32 $0x80, s5  }
0x83: {  	[tilespmem:s15], [sflag:$0x2] =	stream.indirect.gather [hbm4b:s3+s12], $0x80, s7, s12, $0xb8;
	[tilespmem:$0x1D000] =	vst v63  }
0x84: {  	v3 =	vld [tilespmem:s5+$0x2880];
	_ =	sdelay $0x4  }
0x85: {  	v56 =	vshll.u32 v3, $0x1  }
0x86: {  	v3 =	vand.u32 $0x7, v3;
	v4 =	vand.u32 $0xFFFFFFF0, v56  }
0x87: {  	v3 =	vor.u32 v3, v4  }
0x88: {  	v4 =	vperm.xlane v3, v0;
	_ =	sdelay $0x1  }
0x89: {  	v3 =	vperm.xlane v3, v2;
	v4 =	vadd.s32 v1, v4;
	_ =	sdelay $0x1  }
0x8a: {  	v3 =	vadd.s32 v1, v3;
	_ =	sdelay $0x2  }
0x8b: {  	[tilespmem:s16], [sflag:$0x2] =	stream.indirect_vreg.gather [hbm4b:s4+s2], $0x80, v4, vm0, $0xb8;
	[tilespmem:$0x1D000] =	vst v63  }
0x8c: {  	s7 =	rddreg [dreg:$0x12]  }
0x8d: {  	[tilespmem:s7], [sflag:$0x2] =	stream.indirect_vreg.gather [hbm4b:s4+s2], $0x80, v3, vm0, $0xb8;
	[tilespmem:$0x1D000] =	vst v63  }
0x8e: {  	v3 =	vld [tilespmem:s5+$0x2890];
	_ =	sdelay $0x4  }
0x8f: {  	v57 =	vshll.u32 v3, $0x1  }
0x90: {  	v3 =	vand.u32 $0x7, v3;
	v4 =	vand.u32 $0xFFFFFFF0, v57  }
0x91: {  	v3 =	vor.u32 v3, v4  }
0x92: {  	v4 =	vperm.xlane v3, v0;
	_ =	sdelay $0x1  }
0x93: {  	v3 =	vperm.xlane v3, v2;
	v4 =	vadd.s32 v1, v4;
	_ =	sdelay $0x1  }
0x94: {  	v3 =	vadd.s32 v1, v3;
	_ =	sdelay $0x1  }
0x95: {  	s6 =	rddreg [dreg:$0x13]  }
0x96: {  	[tilespmem:s6], [sflag:$0x2] =	stream.indirect_vreg.gather [hbm4b:s4+s2], $0x80, v4, vm0, $0xb8;
	[tilespmem:$0x1D000] =	vst v63  }
0x97: {  	s7 =	rddreg [dreg:$0x14]  }
0x98: {  	[tilespmem:s7], [sflag:$0x2] =	stream.indirect_vreg.gather [hbm4b:s4+s2], $0x80, v3, vm0, $0xb8;
	[tilespmem:$0x1D000] =	vst v63  }
0x99: {  	v3 =	vld [tilespmem:s5+$0x28A0];
	_ =	sdelay $0x4  }
0x9a: {  	v58 =	vshll.u32 v3, $0x1  }
0x9b: {  	v3 =	vand.u32 $0x7, v3;
	v4 =	vand.u32 $0xFFFFFFF0, v58  }
0x9c: {  	v3 =	vor.u32 v3, v4  }
0x9d: {  	v4 =	vperm.xlane v3, v0;
	_ =	sdelay $0x1  }
0x9e: {  	v3 =	vperm.xlane v3, v2;
	v4 =	vadd.s32 v1, v4;
	_ =	sdelay $0x1  }
0x9f: {  	v3 =	vadd.s32 v1, v3;
	_ =	sdelay $0x1  }
0xa0: {  	s7 =	rddreg [dreg:$0x15]  }
0xa1: {  	[tilespmem:s7], [sflag:$0x2] =	stream.indirect_vreg.gather [hbm4b:s4+s2], $0x80, v4, vm0, $0xb8;
	[tilespmem:$0x1D000] =	vst v63  }
0xa2: {  	_ = 	snop  }
0xa3: {  	[tilespmem:s17], [sflag:$0x2] =	stream.indirect_vreg.gather [hbm4b:s4+s2], $0x80, v3, vm0, $0xb8;
	[tilespmem:$0x1D000] =	vst v63  }
0xa4: {  	v3 =	vld [tilespmem:s5+$0x28B0];
	_ =	sdelay $0x4  }
0xa5: {  	v59 =	vshll.u32 v3, $0x1  }
0xa6: {  	v3 =	vand.u32 $0x7, v3;
	v4 =	vand.u32 $0xFFFFFFF0, v59  }
0xa7: {  	v3 =	vor.u32 v3, v4  }
0xa8: {  	v4 =	vperm.xlane v3, v0;
	_ =	sdelay $0x1  }
0xa9: {  	v3 =	vperm.xlane v3, v2;
	v4 =	vadd.s32 v1, v4;
	_ =	sdelay $0x1  }
0xaa: {  	v3 =	vadd.s32 v1, v3;
	_ =	sdelay $0x2  }
0xab: {  	[tilespmem:s18], [sflag:$0x2] =	stream.indirect_vreg.gather [hbm4b:s4+s2], $0x80, v4, vm0, $0xb8;
	[tilespmem:$0x1D000] =	vst v63  }
0xac: {  	_ = 	snop  }
0xad: {  	[tilespmem:s19], [sflag:$0x2] =	stream.indirect_vreg.gather [hbm4b:s4+s2], $0x80, v3, vm0, $0xb8;
	[tilespmem:$0x1D000] =	vst v63  }
0xae: {  	v3 =	vld [tilespmem:s5+$0x28C0];
	_ =	sdelay $0x4  }
0xaf: {  	v60 =	vshll.u32 v3, $0x1  }
0xb0: {  	v3 =	vand.u32 $0x7, v3;
	v4 =	vand.u32 $0xFFFFFFF0, v60  }
0xb1: {  	v3 =	vor.u32 v3, v4  }
0xb2: {  	v4 =	vperm.xlane v3, v0;
	_ =	sdelay $0x1  }
0xb3: {  	v3 =	vperm.xlane v3, v2;
	v4 =	vadd.s32 v1, v4;
	_ =	sdelay $0x1  }
0xb4: {  	v3 =	vadd.s32 v1, v3;
	_ =	sdelay $0x2  }
0xb5: {  	[tilespmem:s20], [sflag:$0x2] =	stream.indirect_vreg.gather [hbm4b:s4+s2], $0x80, v4, vm0, $0xb8;
	[tilespmem:$0x1D000] =	vst v63  }
0xb6: {  	_ = 	snop  }
0xb7: {  	[tilespmem:s21], [sflag:$0x2] =	stream.indirect_vreg.gather [hbm4b:s4+s2], $0x80, v3, vm0, $0xb8;
	[tilespmem:$0x1D000] =	vst v63  }
0xb8: {  	v3 =	vld [tilespmem:s5+$0x28D0];
	_ =	sdelay $0x4  }
0xb9: {  	v61 =	vshll.u32 v3, $0x1  }
0xba: {  	v3 =	vand.u32 $0x7, v3;
	v4 =	vand.u32 $0xFFFFFFF0, v61  }
0xbb: {  	v3 =	vor.u32 v3, v4  }
0xbc: {  	v4 =	vperm.xlane v3, v0;
	_ =	sdelay $0x1  }
0xbd: {  	v3 =	vperm.xlane v3, v2;
	v4 =	vadd.s32 v1, v4;
	_ =	sdelay $0x1  }
0xbe: {  	v3 =	vadd.s32 v1, v3;
	_ =	sdelay $0x2  }
0xbf: {  	[tilespmem:s22], [sflag:$0x2] =	stream.indirect_vreg.gather [hbm4b:s4+s2], $0x80, v4, vm0, $0xb8;
	[tilespmem:$0x1D000] =	vst v63  }
0xc0: {  	_ = 	snop  }
0xc1: {  	[tilespmem:s23], [sflag:$0x2] =	stream.indirect_vreg.gather [hbm4b:s4+s2], $0x80, v3, vm0, $0xb8;
	[tilespmem:$0x1D000] =	vst v63  }
0xc2: {  	v3 =	vld [tilespmem:s5+$0x28E0];
	_ =	sdelay $0x4  }
0xc3: {  	v62 =	vshll.u32 v3, $0x1  }
0xc4: {  	v3 =	vand.u32 $0x7, v3;
	v4 =	vand.u32 $0xFFFFFFF0, v62  }
0xc5: {  	v3 =	vor.u32 v3, v4  }
0xc6: {  	v4 =	vperm.xlane v3, v0;
	_ =	sdelay $0x1  }
0xc7: {  	v3 =	vperm.xlane v3, v2;
	v4 =	vadd.s32 v1, v4;
	_ =	sdelay $0x1  }
0xc8: {  	v3 =	vadd.s32 v1, v3;
	_ =	sdelay $0x2  }
0xc9: {  	[tilespmem:s24], [sflag:$0x2] =	stream.indirect_vreg.gather [hbm4b:s4+s2], $0x80, v4, vm0, $0xb8;
	[tilespmem:$0x1D000] =	vst v63  }
0xca: {  	_ = 	snop  }
0xcb: {  	[tilespmem:s25], [sflag:$0x2] =	stream.indirect_vreg.gather [hbm4b:s4+s2], $0x80, v3, vm0, $0xb8;
	[tilespmem:$0x1D000] =	vst v63  }
0xcc: {  	v3 =	vld [tilespmem:s5+$0x28F0];
	_ =	sdelay $0x4  }
0xcd: {  	v63 =	vshll.u32 v3, $0x1  }
0xce: {  	v3 =	vand.u32 $0x7, v3;
	v4 =	vand.u32 $0xFFFFFFF0, v63  }
0xcf: {  	v3 =	vor.u32 v3, v4  }
0xd0: {  	v4 =	vperm.xlane v3, v0;
	_ =	sdelay $0x1  }
0xd1: {  	v3 =	vperm.xlane v3, v2;
	v4 =	vadd.s32 v1, v4;
	_ =	sdelay $0x1  }
0xd2: {  	v3 =	vadd.s32 v1, v3;
	_ =	sdelay $0x2  }
0xd3: {  	[tilespmem:s26], [sflag:$0x2] =	stream.indirect_vreg.gather [hbm4b:s4+s2], $0x80, v4, vm0, $0xb8;
	[tilespmem:$0x1D000] =	vst v63  }
0xd4: {  	_ = 	snop  }
0xd5: {  	[tilespmem:s28], [sflag:$0x2] =	stream.indirect_vreg.gather [hbm4b:s4+s2], $0x80, v3, vm0, $0xb8;
	[tilespmem:$0x1D000] =	vst v63  }
0xd6: {  	_ =	swait.ge [sflag:s29], $0x4000  }
0xd7: {  	[sflag:s29] =	ssyncset.done $0x0  }
0xd8: {  	[sflag:s29] =	ssyncadd.s32 $0xFFFFC000  }
0xd9: {  	_ =	swait.ge [sflag:s29], $0x8000  }
0xda: {  	[sflag:s29] =	ssyncset.done $0x0  }
0xdb: {  	s6 =	sadd.s32 $0xFFFFF800, s8;
	[sflag:s29] =	ssyncadd.s32 $0xFFFF8000  }
0xdc: {  	[hbm4b:s6+s2] =	stream.linear.scatter [tilespmem:s13], [sflag:$0x3], $0x4000, $0x38;
	[tilespmem:$0x1D000] =	vst v63  }
0xdd: {  	_ =	swait.ge [sflag:s10], $0x4000  }
0xde: {  	[sflag:s10] =	ssyncset.done $0x0  }
0xdf: {  	s7 =	sadd.s32 $0xFFFFF000, s9;
	[sflag:s10] =	ssyncadd.s32 $0xFFFFC000  }
0xe0: {  	[hbm4b:s7+s2] =	stream.linear.scatter [tilespmem:s14], [sflag:$0x3], $0x8000, $0x38;
	[tilespmem:$0x1D000] =	vst v63  }
0xe1: {  	_ =	swait.ge [sflag:s10], $0x8000  }
0xe2: {  	[sflag:s10] =	ssyncset.done $0x0  }
0xe3: {  	[sflag:s10] =	ssyncadd.s32 $0xFFFF8000  }
0xe4: {  	_ =	swait.ge [sflag:s30], $0x4000  }
0xe5: {  	[sflag:s30] =	ssyncset.done $0x0  }
0xe6: {  	[sflag:s30] =	ssyncadd.s32 $0xFFFFC000  }
0xe7: {  	_ =	swait.ge [sflag:s30], $0x8000  }
0xe8: {  	[sflag:s30] =	ssyncset.done $0x0  }
0xe9: {  	[sflag:s30] =	ssyncadd.s32 $0xFFFF8000  }
0xea: {  	[hbm4b:s8+s2] =	stream.linear.scatter [tilespmem:s15], [sflag:$0x3], $0x4000, $0x38;
	[tilespmem:$0x1D000] =	vst v63  }
0xeb: {  	_ =	swait.ge [sflag:s10], $0x4000  }
0xec: {  	p0 =	sne.s32 s11, $0x9C00;
	[sflag:s10] =	ssyncset.done $0x0  }
.Ltmp0:
0xed: {  	[sflag:s10] =	ssyncadd.s32 $0xFFFFC000;
	(pc) =	sbr.rel @p0 .LBB2_2-.Ltmp0, $4  }
0xee: {  	[hbm4b:s9+s2] =	stream.linear.scatter [tilespmem:s16], [sflag:$0x3], $0x8000, $0x38;
	[tilespmem:$0x1D000] =	vst v63  }
0xef: {  	_ =	swait.ge [sflag:s10], $0x8000  }
0xf0: {  	s11 =	sadd.s32 $0x400, s11;
	[sflag:s10] =	ssyncset.done $0x0  }
0xf1: {  	s8 =	sadd.s32 $0x1000, s8;
	s9 =	sadd.s32 $0x2000, s9;
	[sflag:s10] =	ssyncadd.s32 $0xFFFF8000  }
0xf2: {  	s31 =	sadd.s32 $0x1, s31;
	s5 =	rddreg [dreg:$0x18]  }
0xf3: {  	p0 =	sne.s32 s31, s5  }
.Ltmp1:
0xf4: {  	_ = 	snop;
	(pc) =	sbr.rel @p0 .LBB2_1-.Ltmp1, $1  }
0xf5: {  	_ =	sdelay $0x3  }
0xf6: {  	_ =	sfence.sel $0x180000  }
0xf7: {  	[bflag:$0x0] =	sbarrier.arrive $0xFFFF  }
0xf8: {  	_ =	strace $0x90000047  }
0xf9: {  	s0 =	stileid.u32;
	[bflag:$0x2] =	sbarrier.arrive $0xFFFF  }
0xfa: {  	p0 =	sne.s32 s0, $0x0;
	s0 =	rddreg [dreg:$0x2]  }
0xfb: {  	s0 =	sadd.s32 @!p0 $0x100000, s0  }
0xfc: {  	[sflag:s0] =	ssyncadd.tile.s32 @!p0 $0x1;
	_ =	shalt  }
.Lfunc_end2:
_tile_overlayer_lowered:
.L_overlay_start_2:
0xfd: {  	(tag) =	ssettag $0x2  }
0xfe: {  	s0 =	rddreg [dreg:$0x0];
	s2 =	stileid.u32  }
0xff: {  	s1 =	rddreg [dreg:$0x1];
	p0 =	sne.s32 s2, $0x0  }
0x100: {  	s3 =	rddreg [dreg:$0x2];
	[bflag:$0x3] =	sbarrier.arrive $0xFFFF;
	s2 =	simm.s32 @!p0 $0x1C03  }
0x101: {  	[timem:s3], [sflag:s2] =	dma.local @!p0 [hbm:s0], s1  }
0x102: {  	s0 =	simm.s32 @!p0 $0x3  }
0x103: {  	_ =	swait.ge @!p0 [sflag:s0], s1  }
0x104: {  	s1 =	ssub.s32 @!p0 $0x0, s1;
	[sflag:s0] =	ssyncset.done @!p0 $0x0  }
0x105: {  	[sflag:s0] =	ssyncadd.s32 @!p0 s1  }
0x106: {  	[bflag:$0x3] =	sbarrier.arrive $0xFFFF  }
0x107: {  	_ =	shalt  }

// kernel: kernel.9.cloned.1.call-start
scs
__scs_entry_jumppad:
0x0: {  	(pc) =	sbr.rel $0x88, $3  }
0x1: {  	(tag) =	ssettag $0x0;
	lr =	simm.s32 $0x1  }
0x2: {  	[smem:$0x3F97] =	sst lr;
	_ =	strace $0xD0000000  }
0x3: {  	_ = 	snop  }
0x4: {  	_ = 	snop  }
0x5: {  	_ = 	snop  }
0x6: {  	_ = 	snop  }
0x7: {  	_ = 	snop  }
__scs_overlays_trampoline_lowered:
0x8: {  	[smem:$0x3FA6] =	sst s0  }
0x9: {  	[smem:$0x3FA7] =	sst s1  }
0xa: {  	[smem:$0x3FA8] =	sst s2  }
0xb: {  	[smem:$0x3FA9] =	sst s3  }
0xc: {  	[smem:$0x3FAA] =	sst s4  }
0xd: {  	[smem:$0x3FAB] =	sst s5  }
0xe: {  	[smem:$0x3FAC] =	sst s6  }
0xf: {  	[smem:$0x3FAD] =	sst s7  }
0x10: {  	[smem:$0x3FAE] =	sst s8  }
0x11: {  	[smem:$0x3FAF] =	sst s9;
	s0 =	simm.s32 @!p0 $0x0  }
0x12: {  	s1 =	sld [smem:$0x3F95];
	s0 =	simm.s32 @p0 $0x1  }
0x13: {  	[smem:$0x3FB0] =	sst s0;
	s0 =	simm.s32 @!p1 $0x0  }
0x14: {  	s2 =	sld [smem:$0x3F94];
	s0 =	simm.s32 @p1 $0x1  }
0x15: {  	[smem:$0x3FB1] =	sst s0;
	s0 =	simm.s32 @!p2 $0x0  }
0x16: {  	s3 =	sld [smem:$0x3FDB];
	s0 =	simm.s32 @p2 $0x1  }
0x17: {  	s4 =	simm.s32 $0x1BF5;
	[smem:$0x3FB3] =	sst s0  }
0x18: {  	s0 =	sld [smem:$0x3F96];
	_ =	swait.ge [sflag:s4], $0x0  }
0x19: {  	s7 =	sld [smem:$0x3F97]  }
0x1a: {  	s8 =	sadd.s32 $0xFFFFE003, lr  }
0x1b: {  	s9 =	sadd.s32 $0xFFFFFEF7, lr;
	s5 =	simm.s32 $0xFFFFFFFF;
	p2 =	slt.u32 s8, $0xFFFFF086  }
0x1c: {  	p1 =	slt.u32 s9, $0xF7A;
	s5 =	simm.s32 @!p2 $0x0  }
0x1d: {  	s5 =	simm.s32 @p1 $0x1;
	p0 =	seq.s32 s7, s2  }
0x1e: {  	s7 =	smul.u32 @!p0 $0xF7A, s2;
	p2 =	seq.s32 @!p0 s5, $0x0  }
0x1f: {  	s9 =	smul.u32 $0xF7A, s1;
	s8 =	simm.s32 @!p0 $0x1BF5;
	p2 =	por !p2, p0  }
0x20: {  	[sflag:s8] =	ssyncset.s32 @!p0 $0xFFFFF086;
	s6 =	sadd.s32 @!p0 s3, s7;
	s7 =	simm.s32 @!p0 $0x108  }
0x21: {  	s3 =	sadd.s32 s3, s9;
	s6 =	sadd.s32 @!p0 $0x88, s6;
	s7 =	simm.s32 @p2 $0x1082  }
0x22: {  	[simem:s7], [sflag:s8] =	dma.local @!p0 [hbm:s6], $0xF7A  }
0x23: {  	s9 =	sor.u32 $0xD0000000, s2;
	s6 =	simm.s32 $0x108;
	_ =	swait.ge @!p0 [sflag:s8], $0x0  }
0x24: {  	s3 =	sadd.s32 $0x88, s3;
	s6 =	simm.s32 @!p1 $0x1082;
	[sflag:s4] =	ssyncset.s32 $0xFFFFF086  }
0x25: {  	[simem:s6], [sflag:s4] =	dma.local [hbm:s3], $0xF7A  }
0x26: {  	[smem:$0x3F97] =	sst s1;
	(tag) =	ssettag s2;
	_ =	strace s9  }
0x27: {  	s1 =	sld [smem:$0x3FA7]  }
0x28: {  	s2 =	sld [smem:$0x3FA8]  }
0x29: {  	s4 =	sld [smem:$0x3FAA]  }
0x2a: {  	p0 =	seq.s32 s5, $0x0;
	s5 =	sld [smem:$0x3FAB]  }
0x2b: {  	s6 =	sld [smem:$0x3FAC]  }
0x2c: {  	s7 =	sld [smem:$0x3FAD]  }
0x2d: {  	s3 =	simm.s32 $0x108;
	s8 =	sld [smem:$0x3FAE]  }
0x2e: {  	s3 =	simm.s32 @!p0 $0x1082;
	s9 =	sld [smem:$0x3FAF]  }
0x2f: {  	lr =	sadd.s32 s0, s3;
	s0 =	sld [smem:$0x3FA6]  }
0x30: {  	s3 =	sld [smem:$0x3FA9]  }
0x31: {  	[smem:$0x3FB2] =	sst s10  }
0x32: {  	s10 =	sld [smem:$0x3FB0];
	_ =	sdelay $0x3  }
0x33: {  	p0 =	seq.s32 s10, $0x1;
	s10 =	sld [smem:$0x3FB2];
	_ =	sdelay $0x3  }
0x34: {  	[smem:$0x3FB2] =	sst s10  }
0x35: {  	s10 =	sld [smem:$0x3FB1];
	_ =	sdelay $0x3  }
0x36: {  	p1 =	seq.s32 s10, $0x1;
	s10 =	sld [smem:$0x3FB2];
	_ =	sdelay $0x3  }
0x37: {  	[smem:$0x3FB2] =	sst s10  }
0x38: {  	s10 =	sld [smem:$0x3FB3]  }
0x39: {  	_ = 	snop;
	(pc) =	sbr.ind lr, $3  }
0x3a: {  	_ = 	snop  }
0x3b: {  	_ = 	snop  }
0x3c: {  	p2 =	seq.s32 s10, $0x1;
	s10 =	sld [smem:$0x3FB2]  }
0x3d: {  	_ =	shalt  }
0x3e: {  	_ =	shalt  }
0x3f: {  	_ =	shalt  }
0x40: {  	_ =	shalt  }
0x41: {  	_ =	shalt  }
0x42: {  	_ =	shalt  }
0x43: {  	_ =	shalt  }
0x44: {  	_ =	shalt  }
0x45: {  	_ =	shalt  }
0x46: {  	_ =	shalt  }
0x47: {  	_ =	shalt  }
0x48: {  	_ =	shalt  }
0x49: {  	_ =	shalt  }
0x4a: {  	_ =	shalt  }
0x4b: {  	_ =	shalt  }
0x4c: {  	_ =	shalt  }
0x4d: {  	_ =	shalt  }
0x4e: {  	_ =	shalt  }
0x4f: {  	_ =	shalt  }
0x50: {  	_ =	shalt  }
0x51: {  	_ =	shalt  }
0x52: {  	_ =	shalt  }
0x53: {  	_ =	shalt  }
0x54: {  	_ =	shalt  }
0x55: {  	_ =	shalt  }
0x56: {  	_ =	shalt  }
0x57: {  	_ =	shalt  }
0x58: {  	_ =	shalt  }
0x59: {  	_ =	shalt  }
0x5a: {  	_ =	shalt  }
0x5b: {  	_ =	shalt  }
0x5c: {  	_ =	shalt  }
0x5d: {  	_ =	shalt  }
0x5e: {  	_ =	shalt  }
0x5f: {  	_ =	shalt  }
0x60: {  	_ =	shalt  }
0x61: {  	_ =	shalt  }
0x62: {  	_ =	shalt  }
0x63: {  	_ =	shalt  }
0x64: {  	_ =	shalt  }
0x65: {  	_ =	shalt  }
0x66: {  	_ =	shalt  }
0x67: {  	_ =	shalt  }
0x68: {  	_ =	shalt  }
0x69: {  	_ =	shalt  }
0x6a: {  	_ =	shalt  }
0x6b: {  	_ =	shalt  }
0x6c: {  	_ =	shalt  }
0x6d: {  	_ =	shalt  }
0x6e: {  	_ =	shalt  }
0x6f: {  	_ =	shalt  }
0x70: {  	_ =	shalt  }
0x71: {  	_ =	shalt  }
0x72: {  	_ =	shalt  }
0x73: {  	_ =	shalt  }
0x74: {  	_ =	shalt  }
0x75: {  	_ =	shalt  }
0x76: {  	_ =	shalt  }
0x77: {  	_ =	shalt  }
0x78: {  	_ =	shalt  }
0x79: {  	_ =	shalt  }
0x7a: {  	_ =	shalt  }
0x7b: {  	_ =	shalt  }
0x7c: {  	_ =	shalt  }
0x7d: {  	_ =	shalt  }
0x7e: {  	_ =	shalt  }
0x7f: {  	_ =	shalt  }
0x80: {  	_ =	shalt  }
0x81: {  	_ =	shalt  }
0x82: {  	_ =	shalt  }
0x83: {  	_ =	shalt  }
0x84: {  	_ =	shalt  }
0x85: {  	_ =	shalt  }
0x86: {  	_ =	shalt  }
0x87: {  	_ =	shalt  }
.Lfunc_end0:
.L_simem_size_0:
called_computation.1_lowered:
.L_overlay_start_0:
0x88: {  	s2 =	sld [smem:$0x3FD9]  }
0x89: {  	s3 =	sld [smem:$0x3FFE];
	_ =	sdelay $0x1  }
0x8a: {  	s1 =	srdreg.scid  }
0x8b: {  	s0 =	sand.u32 $0x1, s1  }
0x8c: {  	s17 =	sshll.u32 s0, $0xA;
	s2 =	sadd.s32 s3, s2  }
0x8d: {  	s2 =	sadd.s32 s2, s17  }
0x8e: {  	[smem:$0x3FBE] =	sst s2  }
0x8f: {  	_ = 	snop  }
0x90: {  	s2 =	sld [smem:$0x3FD0];
	(tm) =	ssettm $0x1  }
0x91: {  	s18 =	sld [smem:$0x3FFB];
	_ =	sdelay $0x3  }
0x92: {  	_ =	strace s18  }
0x93: {  	s3 =	sld [smem:$0x3FFC];
	_ =	sdelay $0x3  }
0x94: {  	_ =	strace s3  }
0x95: {  	s3 =	sld [smem:$0x3FFD];
	_ =	sdelay $0x3  }
0x96: {  	_ =	strace s3  }
0x97: {  	_ =	strace $0x8FFFFFFF  }
0x98: {  	s19 =	sld [smem:$0x3FDB];
	_ =	sdelay $0x1  }
0x99: {  	s4 =	simm.s32 $_scs_section_size  }
0x9a: {  	s5 =	simm.s32 $_size__tile_overlayer_lowered;
	s6 =	simm.s32 $_tile_overlayer_lowered  }
0x9b: {  	s22 =	simm.s32 $0x1BFF;
	s21 =	sshll.u32 s6, $0x1;
	s3 =	sadd.s32 s4, s19  }
0x9c: {  	s7 =	simm.s32 $0x0;
	s20 =	sshll.u32 s5, $0x1;
	s5 =	sadd.s32 s21, s3  }
0x9d: {  	[timem:s7], [sflag:s22] =	dma.local [hbm:s5], s20  }
0x9e: {  	_ =	swait.ge [sflag:s22], s20  }
0x9f: {  	s4 =	ssub.s32 $0x0, s20;
	[sflag:s22] =	ssyncset.done $0x0  }
0xa0: {  	[sflag:s22] =	ssyncadd.s32 s4;
	_ =	sdelay $0x1  }
0xa1: {  	s23 =	simm.s32 $0x1B8B  }
0xa2: {  	_ =	swait.ge [sflag:s23], $0x1  }
0xa3: {  	[sflag:s23] =	ssyncset.done $0x0  }
0xa4: {  	s25 =	simm.s32 $0x1B8E;
	s24 =	sld [smem:$0x3FFE];
	[sflag:s23] =	ssyncadd.s32 $0xFFFFFFFF  }
0xa5: {  	s26 =	simm.s32 $execute0_lowered;
	[smem:$0x3FD2] =	sst s25  }
0xa6: {  	s5 =	sshll.u32 s26, $0x1;
	_ =	strace $0x80000049;
	[dreg:$0x1] =	wrdreg $0xFFFFFFFF  }
0xa7: {  	s28 =	simm.s32 $_size_execute0_lowered;
	s3 =	sadd.s32 s3, s5;
	[dreg:$0x0] =	wrdreg $0x0  }
0xa8: {  	s5 =	sshll.u32 s28, $0x1;
	[dreg:$0x2] =	wrdreg s3  }
0xa9: {  	[dreg:$0x3] =	wrdreg s5  }
0xaa: {  	[dreg:$0x4] =	wrdreg $0xC0  }
0xab: {  	_ =	task [dreg:s7], $0x5FFFF  }
0xac: {  	[dreg:$0x1] =	wrdreg $0xFFFFFFFF  }
0xad: {  	[dreg:$0x0] =	wrdreg $0x60  }
0xae: {  	[dreg:$0x2] =	wrdreg s2  }
0xaf: {  	[dreg:$0x3] =	wrdreg s24  }
0xb0: {  	[dreg:$0x4] =	wrdreg $0x90000  }
0xb1: {  	[dreg:$0x5] =	wrdreg $0x9  }
0xb2: {  	_ =	task.clear_ibuf [dreg:s7], $0x6FFFF;
	_ =	strace $0x90000049  }
0xb3: {  	s29 =	simm.s32 $0x9;
	_ =	strace $0x8000004B  }
0xb4: {  	_ =	swait.ge [sflag:s29], $0x1  }
0xb5: {  	[sflag:s29] =	ssyncadd.s32 $0xFFFFFFFF  }
0xb6: {  	_ =	strace $0x9000004B  }
0xb7: {  	_ =	sfence  }
0xb8: {  	s30 =	sld [smem:$0x0];
	_ =	sdelay $0x2  }
0xb9: {  	s31 =	sshll.u32 s1, $0xD;
	s1 =	sshrl.u32 s1, $0x2  }
0xba: {  	s3 =	sand.u32 $0x4000, s31;
	s1 =	sadd.s32 s1, s30  }
0xbb: {  	s0 =	sor.u32 s3, s0;
	s1 =	sshll.u32 s1, $0x11  }
0xbc: {  	s0 =	sor.u32 s1, s0  }
0xbd: {  	s0 =	sadd.s32 $0x8F2B, s0  }
0xbe: {  	[sflag:s0] =	ssyncadd.remote.s32 $0x1  }
0xbf: {  	_ =	sfence.sel $0xFFFF  }
0xc0: {  	[dreg:$0x0] =	wrdreg $0xFFFFFFFF;
	(pc) =	sbr.abs _section_cstart, $3  }
0xc1: {  	[dreg:$0x1] =	wrdreg $0xFFFFFFFF  }
0xc2: {  	_ =	task.clear_ibuf [dreg:s7], $0x2FFFF;
	_ =	strace $0x9FFFFFFF  }
0xc3: {  	(tm) =	ssettm $0x7FFFFFFF  }
tec
execute0_lowered:
.L_overlay_start_1:
0x0: {  	(tag) =	ssettag $0x1  }
0x1: {  	s4 =	rddreg [dreg:$0x0]  }
0x2: {  	s5 =	rddreg [dreg:$0x1]  }
0x3: {  	s1 =	rddreg [dreg:$0x2]  }
0x4: {  	s0 =	rddreg [dreg:$0x3]  }
0x5: {  	s8 =	stileid.u32;
	s3 =	srdreg.scid  }
0x6: {  	s2 =	simm.s32 $0x0;
	s13 =	simm.s32 $0x0;
	s6 =	smul.u32 $0x50000, s8  }
0x7: {  	s7 =	sand.u32 $0x1, s3;
	[smem:$0x7FF] =	sst s2;
	s11 =	smul.u32 $0x5000, s8  }
0x8: {  	s3 =	sadd.s32 $0x2800, s5;
	p0 =	sne.s32 s8, $0x0;
	s9 =	smul.u32 $0x27180, s7  }
0x9: {  	_ =	strace $0x8000004A;
	s10 =	ssub.s32 $0x2, s7;
	p1 =	seq.s32 s7, $0x1  }
.Ltmp0:
0xa: {  	s12 =	sadd.s32 s6, s5;
	s30 =	sshrl.u32 s10, $0x1;
	(pc) =	sbr.rel .LBB2_1-.Ltmp0, $4  }
0xb: {  	s31 =	sshrl.u32 s11, $0x3;
	s11 =	simm.s32 $0x5000;
	s5 =	sadd.s32 s9, s5  }
0xc: {  	s6 =	ssub.s32 s10, s30;
	s4 =	sadd.s32 s4, s31;
	s7 =	sadd.s32 $0xF82000, s12  }
0xd: {  	s8 =	sadd.s32 $0x1482000, s12;
	s9 =	sshrl.u32 @!p0 s1, $0x3;
	s10 =	simm.s32 $0x1  }
0xe: {  	s12 =	simm.s32 $0x80;
	s5 =	sadd.s32 $0x29A00, s5;
	s6 =	smax.u32 s6, $0x1  }
.LBB2_7:
0xf: {  	[sflag:s10] =	ssyncadd.s32 $0xFFFFC000  }
.LBB2_8:
0x10: {  	[bflag:$0x0] =	sbarrier.arrive $0xFFFF;
	s14 =	simm.s32 @!p0 $0x1C01;
	s13 =	sadd.s32 $0x1, s13  }
0x11: {  	[hbm:s5], [sflag:s14] =	dma.local @!p0 [spmem:s9], $0x27180  }
0x12: {  	p2 =	sne.s32 s13, s6  }
.Ltmp1:
0x13: {  	_ = 	snop;
	(pc) =	sbr.rel @!p2 .LBB2_9-.Ltmp1, $4  }
0x14: {  	s14 =	simm.s32 @!p0 $0x1  }
0x15: {  	_ =	swait.ge @!p0 [sflag:s14], $0x27180  }
0x16: {  	[sflag:s14] =	ssyncset.done @!p0 $0x0  }
0x17: {  	[sflag:s14] =	ssyncadd.s32 @!p0 $0xFFFD8E80  }
.LBB2_1:
0x18: {  	s14 =	simm.s32 @!p0 $0x1C01  }
0x19: {  	[spmem:s9], [sflag:s14] =	dma.local @!p0 [hbm:s3], $0x27180  }
0x1a: {  	s14 =	simm.s32 @!p0 $0x1  }
0x1b: {  	_ =	swait.ge @!p0 [sflag:s14], $0x27180  }
0x1c: {  	[sflag:s14] =	ssyncset.done @!p0 $0x0  }
0x1d: {  	[sflag:s14] =	ssyncadd.s32 @!p0 $0xFFFD8E80  }
.Ltmp2:
0x1e: {  	[bflag:$0x0] =	sbarrier.arrive $0xFFFF;
	(pc) =	sbr.rel @!p1 .LBB2_2-.Ltmp2, $4  }
0x1f: {  	[tilespmem:s2], [sflag:$0x1] =	stream.linear.gather [hbm4b:s4+s2], $0x5000, $0x38;
	[tilespmem:$0x1C8C0] =	vst v63  }
0x20: {  	_ =	swait.ge [sflag:s10], $0x5000  }
0x21: {  	[sflag:s10] =	ssyncset.done $0x0  }
0x22: {  	[sflag:s10] =	ssyncadd.s32 $0xFFFFB000  }
0x23: {  	[tilespmem:s11], [sflag:$0x1] =	stream.linear.gather [hbm4b:s8+s2], $0x4000, $0x38;
	[tilespmem:$0x1C8C0] =	vst v63  }
0x24: {  	_ =	swait.ge [sflag:s10], $0x4000  }
0x25: {  	[sflag:s10] =	ssyncset.done $0x0  }
0x26: {  	s14 =	simm.s32 $0x0;
	[sflag:s10] =	ssyncadd.s32 $0xFFFFC000  }
0x27: {  	[spmem:s1] =	stream.indirect.scatter.add.f32 [tilespmem:s11], [sflag:$0x1], $0x80, s14, s12, $0xb8;
	[tilespmem:$0x1C8C0] =	vst v63  }
0x28: {  	_ =	swait.ge [sflag:s10], $0x4000  }
0x29: {  	s15 =	smov.u32 s8;
	s14 =	simm.s32 $0x200;
	[sflag:s10] =	ssyncset.done $0x0  }
.LBB2_6:
0x2a: {  	p2 =	sne.s32 s14, $0x13E00;
	[sflag:s10] =	ssyncadd.s32 $0xFFFFC000;
	s15 =	sadd.s32 $0x800, s15  }
0x2b: {  	[tilespmem:s11], [sflag:$0x1] =	stream.linear.gather [hbm4b:s15+s2], $0x4000, $0x38;
	[tilespmem:$0x1C8C0] =	vst v63  }
0x2c: {  	s16 =	smov.u32 s14;
	s14 =	sadd.s32 $0x200, s14;
	_ =	swait.ge [sflag:s10], $0x4000  }
.Ltmp3:
0x2d: {  	[sflag:s10] =	ssyncset.done $0x0;
	(pc) =	sbr.rel @p2 .LBB2_6-.Ltmp3, $4  }
0x2e: {  	s16 =	sshra.s32 s16, $0x2;
	[sflag:s10] =	ssyncadd.s32 $0xFFFFC000  }
0x2f: {  	[spmem:s1] =	stream.indirect.scatter.add.f32 [tilespmem:s11], [sflag:$0x1], $0x80, s16, s12, $0xb8;
	[tilespmem:$0x1C8C0] =	vst v63  }
0x30: {  	_ =	swait.ge [sflag:s10], $0x4000  }
0x31: {  	[sflag:s10] =	ssyncset.done $0x0  }
.Ltmp4:
0x32: {  	_ = 	snop;
	(pc) =	sbr.rel .LBB2_7-.Ltmp4, $1  }
0x33: {  	_ =	sdelay $0x3  }
.LBB2_2:
0x34: {  	[tilespmem:s11], [sflag:$0x1] =	stream.linear.gather [hbm4b:s7+s2], $0x4000, $0x38;
	[tilespmem:$0x1C8C0] =	vst v63  }
0x35: {  	_ =	swait.ge [sflag:s10], $0x4000  }
0x36: {  	[sflag:s10] =	ssyncset.done $0x0  }
0x37: {  	s14 =	simm.s32 $0x0;
	[sflag:s10] =	ssyncadd.s32 $0xFFFFC000  }
0x38: {  	[spmem:s1] =	stream.indirect.scatter.add.f32 [tilespmem:s11], [sflag:$0x1], $0x80, s14, s12, $0xb8;
	[tilespmem:$0x1C8C0] =	vst v63  }
0x39: {  	_ =	swait.ge [sflag:s10], $0x4000  }
0x3a: {  	s15 =	smov.u32 s7;
	s14 =	simm.s32 $0x200;
	[sflag:s10] =	ssyncset.done $0x0  }
.LBB2_3:
0x3b: {  	p2 =	seq.s32 s14, $0x13E00;
	[sflag:s10] =	ssyncadd.s32 $0xFFFFC000;
	s15 =	sadd.s32 $0x800, s15  }
0x3c: {  	[tilespmem:s11], [sflag:$0x1] =	stream.linear.gather [hbm4b:s15+s2], $0x4000, $0x38;
	[tilespmem:$0x1C8C0] =	vst v63  }
0x3d: {  	s16 =	smov.u32 s14;
	s14 =	sadd.s32 $0x200, s14;
	_ =	swait.ge [sflag:s10], $0x4000  }
.Ltmp5:
0x3e: {  	[sflag:s10] =	ssyncset.done $0x0;
	(pc) =	sbr.rel @!p2 .LBB2_3-.Ltmp5, $4  }
0x3f: {  	s16 =	sshra.s32 s16, $0x2;
	[sflag:s10] =	ssyncadd.s32 $0xFFFFC000  }
0x40: {  	[spmem:s1] =	stream.indirect.scatter.add.f32 [tilespmem:s11], [sflag:$0x1], $0x80, s16, s12, $0xb8;
	[tilespmem:$0x1C8C0] =	vst v63  }
0x41: {  	_ =	swait.ge [sflag:s10], $0x4000  }
0x42: {  	[sflag:s10] =	ssyncset.done $0x0  }
.Ltmp6:
0x43: {  	(pc) =	sbr.rel .LBB2_8-.Ltmp6, $2  }
0x44: {  	_ =	sdelay $0x2  }
0x45: {  	[sflag:s10] =	ssyncadd.s32 $0xFFFFC000  }
.LBB2_9:
0x46: {  	_ =	sfence.sel $0x180000  }
0x47: {  	[bflag:$0x0] =	sbarrier.arrive $0xFFFF  }
0x48: {  	_ =	strace $0x9000004A  }
0x49: {  	s0 =	sadd.s32 @!p0 $0x100000, s0;
	[bflag:$0x2] =	sbarrier.arrive $0xFFFF  }
0x4a: {  	[sflag:s0] =	ssyncadd.tile.s32 @!p0 $0x1;
	_ =	shalt  }
.Lfunc_end2:
_tile_overlayer_lowered:
.L_overlay_start_2:
0x4b: {  	(tag) =	ssettag $0x2  }
0x4c: {  	s0 =	rddreg [dreg:$0x0];
	s2 =	stileid.u32  }
0x4d: {  	s1 =	rddreg [dreg:$0x1];
	p0 =	sne.s32 s2, $0x0  }
0x4e: {  	s3 =	rddreg [dreg:$0x2];
	[bflag:$0x3] =	sbarrier.arrive $0xFFFF;
	s2 =	simm.s32 @!p0 $0x1C01  }
0x4f: {  	[timem:s3], [sflag:s2] =	dma.local @!p0 [hbm:s0], s1  }
0x50: {  	s0 =	simm.s32 @!p0 $0x1  }
0x51: {  	_ =	swait.ge @!p0 [sflag:s0], s1  }
0x52: {  	s1 =	ssub.s32 @!p0 $0x0, s1;
	[sflag:s0] =	ssyncset.done @!p0 $0x0  }
0x53: {  	[sflag:s0] =	ssyncadd.s32 @!p0 s1  }
0x54: {  	[bflag:$0x3] =	sbarrier.arrive $0xFFFF  }
0x55: {  	_ =	shalt  }

</sc_bundles>
